<compile_context>
chip_gen: v7x
topology: tpu7x:2x2x1
jax: 0.10.2.dev20260603
libtpu: 0.0.44.dev20260713+nightly
codegen_flags: <defaults>
</compile_context>

<pallas_src>
import functools

import jax
import jax.numpy as jnp
from jax import lax
from jax.experimental import pallas as pl
from jax.experimental.pallas import tpu as pltpu
from jax.experimental.pallas import tpu_sc as plsc

_C = 21
_B = 32
_P = 8732
_PP = 8736
_O = 12
_GB = 8
_GRID = _B // _GB
_V0, _V1 = 0.1, 0.2
_NEG_POS = 3
_L = 16


def _sl1(x):
    ax = jnp.abs(x)
    return jnp.where(ax < 1.0, 0.5 * x * x, ax - 0.5)


def _main_body(pl_ref, ps_ref, pr_ref, gt_ref, acc_ref, lc_ref, k_ref):
    step = pl.program_id(0)

    pcx = pr_ref[0:1, :]
    pcy = pr_ref[1:2, :]
    pw = pr_ref[2:3, :]
    ph = pr_ref[3:4, :]
    pxmin = pcx - pw * 0.5
    pymin = pcy - ph * 0.5
    pxmax = pcx + pw * 0.5
    pymax = pcy + ph * 0.5
    area_p = pw * ph

    lane = lax.broadcasted_iota(jnp.int32, (_GB, _P), 1)
    gt = gt_ref[...]

    bto = None
    bti = None
    bp = []
    tx1 = []
    ty1 = []
    tx2 = []
    ty2 = []
    tlab = []
    for o in range(_O):
        x1 = gt[:, o:o + 1]
        y1 = gt[:, _O + o:_O + o + 1]
        x2 = gt[:, 2 * _O + o:2 * _O + o + 1]
        y2 = gt[:, 3 * _O + o:3 * _O + o + 1]
        tx1.append(x1)
        ty1.append(y1)
        tx2.append(x2)
        ty2.append(y2)
        tlab.append(gt[:, 4 * _O + o:4 * _O + o + 1])
        iw = jnp.maximum(jnp.minimum(x2, pxmax) - jnp.maximum(x1, pxmin), 0.0)
        ih = jnp.maximum(jnp.minimum(y2, pymax) - jnp.maximum(y1, pymin), 0.0)
        inter = iw * ih
        area_t = (x2 - x1) * (y2 - y1)
        iou = inter / (area_t + area_p - inter)
        mo = jnp.max(iou, axis=1, keepdims=True)
        bp.append(jnp.min(jnp.where(iou == mo, lane, _P), axis=1, keepdims=True))
        if o == 0:
            bto = iou
            bti = jnp.zeros((_GB, _P), jnp.int32)
        else:
            m = iou > bto
            bti = jnp.where(m, o, bti)
            bto = jnp.where(m, iou, bto)

    for o in range(_O):
        eq = lane == bp[o]
        bto = jnp.where(eq, 2.0, bto)
        bti = jnp.where(eq, o, bti)

    conf = jnp.zeros((_GB, _P), jnp.int32)
    mx1 = jnp.zeros((_GB, _P), jnp.float32)
    my1 = jnp.zeros((_GB, _P), jnp.float32)
    mx2 = jnp.zeros((_GB, _P), jnp.float32)
    my2 = jnp.zeros((_GB, _P), jnp.float32)
    for o in range(_O):
        s = bti == o
        conf = jnp.where(s, tlab[o].astype(jnp.int32) + 1, conf)
        mx1 = jnp.where(s, tx1[o], mx1)
        my1 = jnp.where(s, ty1[o], my1)
        mx2 = jnp.where(s, tx2[o], mx2)
        my2 = jnp.where(s, ty2[o], my2)
    conf = jnp.where(bto < 0.5, 0, conf)
    pos = conf > 0
    posf = pos.astype(jnp.float32)

    g_cx = ((mx1 + mx2) * 0.5 - pcx) / (_V0 * pw)
    g_cy = ((my1 + my2) * 0.5 - pcy) / (_V0 * ph)
    g_w = jnp.log((mx2 - mx1) / pw) / _V1
    g_h = jnp.log((my2 - my1) / ph) / _V1
    ll = (_sl1(pl_ref[:, 0, :] - g_cx) + _sl1(pl_ref[:, 1, :] - g_cy)
          + _sl1(pl_ref[:, 2, :] - g_w) + _sl1(pl_ref[:, 3, :] - g_h))
    loss_l = jnp.sum(ll * posf)

    se = jnp.zeros((_GB, _P), jnp.float32)
    picked = jnp.zeros((_GB, _P), jnp.float32)
    for c in range(_C):
        s_c = ps_ref[:, c, :].astype(jnp.float32)
        se = se + jnp.exp(s_c)
        picked = jnp.where(conf == c, s_c, picked)
    ce = jnp.log(se) - picked
    pos_ce = jnp.sum(ce * posf)
    num_pos = jnp.sum(posf, axis=1, keepdims=True)

    lc = jnp.maximum(jnp.where(pos, 0.0, ce), 0.0)
    lc_ref[...] = jnp.pad(lc, ((0, 0), (0, _PP - _P)))
    k = jnp.minimum(num_pos.astype(jnp.int32) * _NEG_POS, _P - 1)
    k_ref[...] = jnp.broadcast_to(k, (_GB, _L))

    vec = jnp.concatenate(
        [loss_l[None, None], pos_ce[None, None],
         jnp.sum(num_pos)[None, None], jnp.zeros((1, 1), jnp.float32)],
        axis=1)

    @pl.when(step == 0)
    def _():
        acc_ref[...] = jnp.zeros((1, 4), jnp.float32)

    acc_ref[...] += vec


def _lane_perm(vec, idx):
    dn = lax.GatherDimensionNumbers(offset_dims=(), collapsed_slice_dims=(0,),
                                    start_index_map=(0,))
    return lax.gather(vec, idx[:, None], dn, (1,),
                      mode=lax.GatherScatterMode.PROMISE_IN_BOUNDS)


def _bfly_sum(vec):
    iota = lax.iota(jnp.int32, _L)
    for sh in (8, 4, 2, 1):
        vec = vec + _lane_perm(vec, jnp.bitwise_xor(iota, sh))
    return vec


def _mine_body(lc_hbm, k_hbm, out_hbm, row_v, k_v, neg_v):
    wid = lax.axis_index("s") * 2 + lax.axis_index("c")
    pltpu.sync_copy(lc_hbm.at[wid], row_v)
    pltpu.sync_copy(k_hbm.at[wid], k_v)
    k = k_v[...]

    nchunk = _PP // _L

    def outer(_, carry):
        lo, hi = carry
        mid = lo + lax.div(hi - lo, 2)

        def inner(j, accs):
            a0, a1, a2, a3, a4, a5 = accs
            base = j * (6 * _L)

            def ld(t):
                return lax.bitcast_convert_type(
                    row_v[pl.ds(base + t * _L, _L)], jnp.int32)

            return (a0 + jnp.where(ld(0) > mid, 1, 0),
                    a1 + jnp.where(ld(1) > mid, 1, 0),
                    a2 + jnp.where(ld(2) > mid, 1, 0),
                    a3 + jnp.where(ld(3) > mid, 1, 0),
                    a4 + jnp.where(ld(4) > mid, 1, 0),
                    a5 + jnp.where(ld(5) > mid, 1, 0))

        z = jnp.zeros((_L,), jnp.int32)
        accs = lax.fori_loop(0, nchunk // 6, inner, (z, z, z, z, z, z))
        cnt = _bfly_sum(accs[0] + accs[1] + accs[2]
                        + (accs[3] + accs[4] + accs[5]))
        ge = cnt >= k
        return jnp.where(ge, mid + 1, lo), jnp.where(ge, hi, mid)

    lo0 = jnp.zeros((_L,), jnp.int32)
    hi0 = jnp.full((_L,), 2**31 - 1, dtype=jnp.int32)
    _, hi = lax.fori_loop(0, 32, outer, (lo0, hi0))
    thr = lax.bitcast_convert_type(hi, jnp.float32)

    def fin(j, carry):
        c0, c1, c2, s0, s1, s2 = carry
        base = j * (3 * _L)
        v0 = row_v[pl.ds(base, _L)]
        v1 = row_v[pl.ds(base + _L, _L)]
        v2 = row_v[pl.ds(base + 2 * _L, _L)]
        m0, m1, m2 = v0 > thr, v1 > thr, v2 > thr
        return (c0 + jnp.where(m0, 1, 0), c1 + jnp.where(m1, 1, 0),
                c2 + jnp.where(m2, 1, 0), s0 + jnp.where(m0, v0, 0.0),
                s1 + jnp.where(m1, v1, 0.0), s2 + jnp.where(m2, v2, 0.0))

    zi = jnp.zeros((_L,), jnp.int32)
    zf = jnp.zeros((_L,), jnp.float32)
    c0, c1, c2, s0, s1, s2 = lax.fori_loop(
        0, nchunk // 3, fin, (zi, zi, zi, zf, zf, zf))
    cgt = c0 + c1 + c2
    gsum = s0 + s1 + s2
    cgt_t = _bfly_sum(cgt)
    gsum_t = _bfly_sum(gsum)
    rem = (k - cgt_t).astype(jnp.float32)
    neg_v[...] = gsum_t + jnp.where(k > cgt_t, rem * thr,
                                    jnp.zeros((_L,), jnp.float32))
    pltpu.sync_copy(neg_v, out_hbm.at[wid])


def _finish_body(acc_ref, negs_ref, out_ref):
    a = acc_ref[...]
    negsum = jnp.sum(negs_ref[...][:, 0:1])
    n = a[0:1, 2:3]
    out_ref[...] = jnp.concatenate(
        [a[0:1, 0:1] / n, (a[0:1, 1:2] + negsum) / n], axis=1)


def kernel(pred_loc, pred_score, priors_data, gt_data):
    pl_t = jnp.transpose(pred_loc, (0, 2, 1))
    ps_t = jnp.transpose(pred_score, (0, 2, 1)).astype(jnp.bfloat16)
    pr_t = priors_data.T
    gt_t = jnp.transpose(gt_data, (0, 2, 1)).reshape(_B, 5 * _O)

    acc, lc, kk = pl.pallas_call(
        _main_body,
        grid=(_GRID,),
        in_specs=[
            pl.BlockSpec((_GB, 4, _P), lambda i: (i, 0, 0)),
            pl.BlockSpec((_GB, _C, _P), lambda i: (i, 0, 0)),
            pl.BlockSpec((4, _P), lambda i: (0, 0)),
            pl.BlockSpec((_GB, 5 * _O), lambda i: (i, 0)),
        ],
        out_specs=[
            pl.BlockSpec((1, 4), lambda i: (0, 0)),
            pl.BlockSpec((_GB, _PP), lambda i: (i, 0)),
            pl.BlockSpec((_GB, _L), lambda i: (i, 0)),
        ],
        out_shape=[
            jax.ShapeDtypeStruct((1, 4), jnp.float32),
            jax.ShapeDtypeStruct((_B, _PP), jnp.float32),
            jax.ShapeDtypeStruct((_B, _L), jnp.int32),
        ],
    )(pl_t, ps_t, pr_t, gt_t)

    mine = functools.partial(
        pl.kernel,
        mesh=plsc.VectorSubcoreMesh(core_axis_name="c", subcore_axis_name="s"),
        out_type=jax.ShapeDtypeStruct((_B, _L), jnp.float32),
        scratch_types=[
            pltpu.VMEM((_PP,), jnp.float32),
            pltpu.VMEM((_L,), jnp.int32),
            pltpu.VMEM((_L,), jnp.float32),
        ],
    )(_mine_body)
    negs = mine(lc, kk)

    out = pl.pallas_call(
        _finish_body,
        out_shape=jax.ShapeDtypeStruct((1, 2), jnp.float32),
    )(acc, negs)
    return (out[0, 0], out[0, 1])

# --- scband reference (transcript-rebuilt; emitter-appended) ---
"""Pipeline reference for scband-multi-box-loss-58841051955897 (READ-ONLY COPY).

The authoritative reference and input builder live on the scoring server;
editing this copy changes nothing except your own understanding.
"""

import jax, jax.numpy as jnp
import numpy as np

NUM_CLASSES = 21
OVERLAP_THRESH = 0.5
NEG_POS_RATIO = 3
VARIANCE = (0.1, 0.2)


def point_form(boxes):
    return jnp.concatenate([boxes[:, :2] - boxes[:, 2:] / 2.0,
                            boxes[:, :2] + boxes[:, 2:] / 2.0], axis=1)


def jaccard(box_a, box_b):
    max_xy = jnp.minimum(box_a[:, None, 2:], box_b[None, :, 2:])
    min_xy = jnp.maximum(box_a[:, None, :2], box_b[None, :, :2])
    inter = jnp.clip(max_xy - min_xy, 0.0, None).prod(axis=2)
    area_a = ((box_a[:, 2] - box_a[:, 0]) * (box_a[:, 3] - box_a[:, 1]))[:, None]
    area_b = ((box_b[:, 2] - box_b[:, 0]) * (box_b[:, 3] - box_b[:, 1]))[None, :]
    return inter / (area_a + area_b - inter)


def encode(matched, priors, variances):
    g_cxcy = (matched[:, :2] + matched[:, 2:]) / 2.0 - priors[:, :2]
    g_cxcy = g_cxcy / (variances[0] * priors[:, 2:])
    g_wh = (matched[:, 2:] - matched[:, :2]) / priors[:, 2:]
    g_wh = jnp.log(g_wh) / variances[1]
    return jnp.concatenate([g_cxcy, g_wh], axis=1)


def match_one(gt, priors):
    truths = gt[:, :4]
    labels = gt[:, 4].astype(jnp.int32)
    overlaps = jaccard(truths, point_form(priors))  # [num_objs, num_priors]
    best_prior_idx = jnp.argmax(overlaps, axis=1)
    best_truth_overlap = jnp.max(overlaps, axis=0)
    best_truth_idx = jnp.argmax(overlaps, axis=0)
    best_truth_overlap = best_truth_overlap.at[best_prior_idx].set(2.0)
    best_truth_idx = best_truth_idx.at[best_prior_idx].set(jnp.arange(truths.shape[0]))
    matches = truths[best_truth_idx]
    conf = labels[best_truth_idx] + 1
    conf = jnp.where(best_truth_overlap < OVERLAP_THRESH, 0, conf)
    loc = encode(matches, priors, VARIANCE)
    return loc, conf


def log_sum_exp(x):
    x_max = jnp.max(x)
    return jnp.log(jnp.sum(jnp.exp(x - x_max), axis=1, keepdims=True)) + x_max


def smooth_l1(x):
    ax = jnp.abs(x)
    return jnp.where(ax < 1.0, 0.5 * x * x, ax - 0.5)


def setup_inputs(seed: int = 0):
    key = jax.random.key(seed)
    k1, k2, k3, k4, k5, k6 = jax.random.split(key, 6)
    num, num_priors, num_objs = 32, 8732, 12
    pred_loc = jax.random.normal(k1, (num, num_priors, 4), dtype=jnp.float32)
    pred_score = jax.random.normal(k2, (num, num_priors, NUM_CLASSES), dtype=jnp.float32)
    pc = jax.random.uniform(k3, (num_priors, 2), minval=0.05, maxval=0.95)
    pwh = jax.random.uniform(k4, (num_priors, 2), minval=0.05, maxval=0.5)
    priors_data = jnp.concatenate([pc, pwh], axis=1).astype(jnp.float32)
    gc = jax.random.uniform(k5, (num, num_objs, 2), minval=0.2, maxval=0.8)
    gwh = jax.random.uniform(k6, (num, num_objs, 2), minval=0.05, maxval=0.3)
    gmin = jnp.clip(gc - gwh / 2.0, 0.0, 1.0)
    gmax = jnp.clip(gc + gwh / 2.0, 0.0, 1.0)
    labels = jax.random.randint(jax.random.fold_in(key, 7), (num, num_objs, 1), 0, NUM_CLASSES - 1).astype(jnp.float32)
    gt_data = jnp.concatenate([gmin, gmax, labels], axis=2).astype(jnp.float32)
    return {"pred_loc": pred_loc, "pred_score": pred_score, "priors_data": priors_data, "gt_data": gt_data}


def reference(pred_loc, pred_score, priors_data, gt_data):
    num, num_priors, num_classes = pred_score.shape
    target_loc, target_score = jax.vmap(lambda g: match_one(g, priors_data))(gt_data)
    target_loc = jax.lax.stop_gradient(target_loc)
    target_score = jax.lax.stop_gradient(target_score)
    pos = target_score > 0  # [num, num_priors]
    # localization loss over positives (sum reduction)
    loss_l = jnp.sum(smooth_l1(pred_loc - target_loc) * pos[:, :, None].astype(pred_loc.dtype))
    # hard negative mining score
    batch_score = pred_score.reshape(-1, num_classes)
    ts_flat = target_score.reshape(-1)
    loss_c = (log_sum_exp(batch_score) - jnp.take_along_axis(batch_score, ts_flat[:, None], axis=1)).reshape(-1)
    loss_c = jnp.where(pos.reshape(-1), 0.0, loss_c)
    loss_c = loss_c.reshape(num, -1)
    loss_idx = jnp.argsort(-loss_c, axis=1)
    idx_rank = jnp.argsort(loss_idx, axis=1)
    num_pos = jnp.sum(pos.astype(jnp.int32), axis=1, keepdims=True)
    num_neg = jnp.clip(NEG_POS_RATIO * num_pos, None, num_priors - 1)
    neg = idx_rank < num_neg
    sel = jnp.logical_or(pos, neg)
    # confidence loss (cross entropy, sum reduction) over pos + hard negatives
    lse = jax.nn.logsumexp(pred_score, axis=2)
    picked = jnp.take_along_axis(pred_score, target_score[:, :, None], axis=2)[:, :, 0]
    ce = lse - picked
    loss_c_final = jnp.sum(ce * sel.astype(pred_score.dtype))
    N = jnp.sum(num_pos).astype(pred_loc.dtype)
    return (loss_l / N, loss_c_final / N)

if __name__ == "__main__":
    import jax
    _d = setup_inputs()
    print(jax.jit(kernel)(*tuple(_d.values())))

</pallas_src>

<mosaic_0001>
#map = affine_map<(d0, d1) -> (0, 0)>
module attributes {stable_mosaic.version = 14 : i64} {
  func.func @_mine_body(%arg0: i32, %arg1: i32, %arg2: memref<32x8736xf32, #tpu.memory_space<hbm>>, %arg3: memref<32x16xi32, #tpu.memory_space<hbm>>, %arg4: memref<32x16xf32, #tpu.memory_space<hbm>>, %arg5: memref<8736xf32, #tpu.memory_space<vmem>>, %arg6: memref<16xi32, #tpu.memory_space<vmem>>, %arg7: memref<16xf32, #tpu.memory_space<vmem>>) attributes {dimension_semantics = [#tpu.dimension_semantics<core_parallel>, #tpu.dimension_semantics<subcore_parallel>], iteration_bounds = array<i64: 2, 16>, scalar_prefetch = 0 : i64, scratch_operands = 3 : i64, tpu.core_type = #tpu.core_type<sc_vector_subcore>, window_params = [{transform_indices = #map}, {transform_indices = #map}, {transform_indices = #map}]} {
    %mul3A = arith.constant 2 : i32
    %mul3A_0 = arith.muli %arg1, %mul3A : i32
    %add3A = arith.addi %mul3A_0, %arg0 : i32
    "tpu.region"() ({
      %run_scoped3A = tpu.sem_alloc : memref<!tpu.dma_semaphore, #tpu.memory_space<semaphore_mem>>
      %dma_start3A = arith.constant 0 : i32
      %dma_start3A_87 = tpu.memref_slice %arg2[%add3A, %dma_start3A] : memref<32x8736xf32, #tpu.memory_space<hbm>> -> memref<1x8736xf32, #tpu.memory_space<hbm>>
      %dma_start3A_88 = tpu.memref_squeeze %dma_start3A_87 : memref<1x8736xf32, #tpu.memory_space<hbm>> -> memref<8736xf32, #tpu.memory_space<hbm>>
      %dma_start3A_89 = arith.constant 0 : i32
      %dma_start3A_90 = tpu.memref_slice %arg2[%add3A, %dma_start3A_89] : memref<32x8736xf32, #tpu.memory_space<hbm>> -> memref<1x8736xf32, #tpu.memory_space<hbm>>
      %dma_start3A_91 = tpu.memref_squeeze %dma_start3A_90 : memref<1x8736xf32, #tpu.memory_space<hbm>> -> memref<8736xf32, #tpu.memory_space<hbm>>
      tpu.enqueue_dma source(%dma_start3A_91 : memref<8736xf32, #tpu.memory_space<hbm>>) target(%arg5 : memref<8736xf32, #tpu.memory_space<vmem>>) target_semaphore(%run_scoped3A : memref<!tpu.dma_semaphore, #tpu.memory_space<semaphore_mem>>)
      %dma_wait3A = arith.constant 0 : i32
      %dma_wait3A_92 = tpu.memref_slice %arg2[%add3A, %dma_wait3A] : memref<32x8736xf32, #tpu.memory_space<hbm>> -> memref<1x8736xf32, #tpu.memory_space<hbm>>
      %dma_wait3A_93 = tpu.memref_squeeze %dma_wait3A_92 : memref<1x8736xf32, #tpu.memory_space<hbm>> -> memref<8736xf32, #tpu.memory_space<hbm>>
      %dma_wait3A_94 = arith.constant 0 : i32
      %dma_wait3A_95 = tpu.memref_slice %arg2[%add3A, %dma_wait3A_94] : memref<32x8736xf32, #tpu.memory_space<hbm>> -> memref<1x8736xf32, #tpu.memory_space<hbm>>
      %dma_wait3A_96 = tpu.memref_squeeze %dma_wait3A_95 : memref<1x8736xf32, #tpu.memory_space<hbm>> -> memref<8736xf32, #tpu.memory_space<hbm>>
      tpu.wait_dma2 semaphore(%run_scoped3A : memref<!tpu.dma_semaphore, #tpu.memory_space<semaphore_mem>>) src(%dma_wait3A_96 : memref<8736xf32, #tpu.memory_space<hbm>>) dst(%arg5 : memref<8736xf32, #tpu.memory_space<vmem>>)
      tpu.yield
    }) : () -> ()
    "tpu.region"() ({
      %run_scoped3A = tpu.sem_alloc : memref<!tpu.dma_semaphore, #tpu.memory_space<semaphore_mem>>
      %dma_start3A = arith.constant 0 : i32
      %dma_start3A_87 = tpu.memref_slice %arg3[%add3A, %dma_start3A] : memref<32x16xi32, #tpu.memory_space<hbm>> -> memref<1x16xi32, #tpu.memory_space<hbm>>
      %dma_start3A_88 = tpu.memref_squeeze %dma_start3A_87 : memref<1x16xi32, #tpu.memory_space<hbm>> -> memref<16xi32, #tpu.memory_space<hbm>>
      %dma_start3A_89 = arith.constant 0 : i32
      %dma_start3A_90 = tpu.memref_slice %arg3[%add3A, %dma_start3A_89] : memref<32x16xi32, #tpu.memory_space<hbm>> -> memref<1x16xi32, #tpu.memory_space<hbm>>
      %dma_start3A_91 = tpu.memref_squeeze %dma_start3A_90 : memref<1x16xi32, #tpu.memory_space<hbm>> -> memref<16xi32, #tpu.memory_space<hbm>>
      tpu.enqueue_dma source(%dma_start3A_91 : memref<16xi32, #tpu.memory_space<hbm>>) target(%arg6 : memref<16xi32, #tpu.memory_space<vmem>>) target_semaphore(%run_scoped3A : memref<!tpu.dma_semaphore, #tpu.memory_space<semaphore_mem>>)
      %dma_wait3A = arith.constant 0 : i32
      %dma_wait3A_92 = tpu.memref_slice %arg3[%add3A, %dma_wait3A] : memref<32x16xi32, #tpu.memory_space<hbm>> -> memref<1x16xi32, #tpu.memory_space<hbm>>
      %dma_wait3A_93 = tpu.memref_squeeze %dma_wait3A_92 : memref<1x16xi32, #tpu.memory_space<hbm>> -> memref<16xi32, #tpu.memory_space<hbm>>
      %dma_wait3A_94 = arith.constant 0 : i32
      %dma_wait3A_95 = tpu.memref_slice %arg3[%add3A, %dma_wait3A_94] : memref<32x16xi32, #tpu.memory_space<hbm>> -> memref<1x16xi32, #tpu.memory_space<hbm>>
      %dma_wait3A_96 = tpu.memref_squeeze %dma_wait3A_95 : memref<1x16xi32, #tpu.memory_space<hbm>> -> memref<16xi32, #tpu.memory_space<hbm>>
      tpu.wait_dma2 semaphore(%run_scoped3A : memref<!tpu.dma_semaphore, #tpu.memory_space<semaphore_mem>>) src(%dma_wait3A_96 : memref<16xi32, #tpu.memory_space<hbm>>) dst(%arg6 : memref<16xi32, #tpu.memory_space<vmem>>)
      tpu.yield
    }) : () -> ()
    %get3A = arith.constant 0 : index
    %get3A_1 = tpu.vector_load %arg6[%get3A] {strides = array<i32>} : memref<16xi32, #tpu.memory_space<vmem>>, vector<16xi32>,
    %get3A_2 = vector.shape_cast %get3A_1 : vector<16xi32> to vector<16xi32>
    %broadcast_in_dim3A = arith.constant 0 : i32
    %broadcast_in_dim3A_3 = vector.broadcast %broadcast_in_dim3A : i32 to vector<16xi32>
    %broadcast_in_dim3A_4 = arith.constant 2147483647 : i32
    %broadcast_in_dim3A_5 = vector.broadcast %broadcast_in_dim3A_4 : i32 to vector<16xi32>
    %scan3A = arith.constant 0 : i32
    %scan3A_6 = arith.constant 32 : i32
    %scan3A_7 = arith.addi %scan3A, %scan3A_6 : i32
    %scan3A_8 = arith.constant 1 : i32
    %scan3A_9:2 = scf.for %scan3A_87 = %scan3A to %scan3A_7 step %scan3A_8 iter_args(%scan3A_88 = %broadcast_in_dim3A_3, %scan3A_89 = %broadcast_in_dim3A_5) -> (vector<16xi32>, vector<16xi32>)  : i32 {
      %sub3A_90 = arith.subi %scan3A_89, %scan3A_88 : vector<16xi32>
      %div3A = arith.constant 2 : i32
      %div3A_91 = vector.broadcast %div3A : i32 to vector<16xi32>
      %div3A_92 = arith.divsi %sub3A_90, %div3A_91 : vector<16xi32>
      %add3A_93 = arith.addi %scan3A_88, %div3A_92 : vector<16xi32>
      %broadcast_in_dim3A_94 = arith.constant 0 : i32
      %broadcast_in_dim3A_95 = vector.broadcast %broadcast_in_dim3A_94 : i32 to vector<16xi32>
      %scan3A_96 = arith.constant 0 : i32
      %scan3A_97 = arith.constant 91 : i32
      %scan3A_98 = arith.addi %scan3A_96, %scan3A_97 : i32
      %scan3A_99 = arith.constant 1 : i32
      %scan3A_100:6 = scf.for %scan3A_141 = %scan3A_96 to %scan3A_98 step %scan3A_99 iter_args(%scan3A_142 = %broadcast_in_dim3A_95, %scan3A_143 = %broadcast_in_dim3A_95, %scan3A_144 = %broadcast_in_dim3A_95, %scan3A_145 = %broadcast_in_dim3A_95, %scan3A_146 = %broadcast_in_dim3A_95, %scan3A_147 = %broadcast_in_dim3A_95) -> (vector<16xi32>, vector<16xi32>, vector<16xi32>, vector<16xi32>, vector<16xi32>, vector<16xi32>)  : i32 {
        %mul3A_148 = arith.constant 96 : i32
        %mul3A_149 = arith.muli %scan3A_141, %mul3A_148 : i32
        %add3A_150 = arith.constant 0 : i32
        %add3A_151 = arith.addi %mul3A_149, %add3A_150 : i32
        %get3A_152 = arith.index_cast %add3A_151 : i32 to index
        %get3A_153 = tpu.vector_load %arg5[%get3A_152] {strides = array<i32>} : memref<8736xf32, #tpu.memory_space<vmem>>, vector<16xf32>,
        %get3A_154 = vector.shape_cast %get3A_153 : vector<16xf32> to vector<16xf32>
        %bitcast_convert_type3A_155 = tpu.bitcast %get3A_154 : vector<16xf32> -> vector<16xi32>
        %gt3A_156 = arith.cmpi sgt, %bitcast_convert_type3A_155, %add3A_93 : vector<16xi32>
        %jit3A = arith.constant 1 : i32
        %jit3A_157 = arith.constant 0 : i32
        %broadcast_in_dim3A_158 = vector.broadcast %jit3A : i32 to vector<16xi32>
        %broadcast_in_dim3A_159 = vector.broadcast %jit3A_157 : i32 to vector<16xi32>
        %select_n3A_160 = arith.select %gt3A_156, %broadcast_in_dim3A_158, %broadcast_in_dim3A_159 : vector<16xi1>, vector<16xi32>
        %add3A_161 = arith.addi %scan3A_142, %select_n3A_160 : vector<16xi32>
        %add3A_162 = arith.constant 16 : i32
        %add3A_163 = arith.addi %mul3A_149, %add3A_162 : i32
        %get3A_164 = arith.index_cast %add3A_163 : i32 to index
        %get3A_165 = tpu.vector_load %arg5[%get3A_164] {strides = array<i32>} : memref<8736xf32, #tpu.memory_space<vmem>>, vector<16xf32>,
        %get3A_166 = vector.shape_cast %get3A_165 : vector<16xf32> to vector<16xf32>
        %bitcast_convert_type3A_167 = tpu.bitcast %get3A_166 : vector<16xf32> -> vector<16xi32>
        %gt3A_168 = arith.cmpi sgt, %bitcast_convert_type3A_167, %add3A_93 : vector<16xi32>
        %jit3A_169 = arith.constant 1 : i32
        %jit3A_170 = arith.constant 0 : i32
        %broadcast_in_dim3A_171 = vector.broadcast %jit3A_169 : i32 to vector<16xi32>
        %broadcast_in_dim3A_172 = vector.broadcast %jit3A_170 : i32 to vector<16xi32>
        %select_n3A_173 = arith.select %gt3A_168, %broadcast_in_dim3A_171, %broadcast_in_dim3A_172 : vector<16xi1>, vector<16xi32>
        %add3A_174 = arith.addi %scan3A_143, %select_n3A_173 : vector<16xi32>
        %add3A_175 = arith.constant 32 : i32
        %add3A_176 = arith.addi %mul3A_149, %add3A_175 : i32
        %get3A_177 = arith.index_cast %add3A_176 : i32 to index
        %get3A_178 = tpu.vector_load %arg5[%get3A_177] {strides = array<i32>} : memref<8736xf32, #tpu.memory_space<vmem>>, vector<16xf32>,
        %get3A_179 = vector.shape_cast %get3A_178 : vector<16xf32> to vector<16xf32>
        %bitcast_convert_type3A_180 = tpu.bitcast %get3A_179 : vector<16xf32> -> vector<16xi32>
        %gt3A_181 = arith.cmpi sgt, %bitcast_convert_type3A_180, %add3A_93 : vector<16xi32>
        %jit3A_182 = arith.constant 1 : i32
        %jit3A_183 = arith.constant 0 : i32
        %broadcast_in_dim3A_184 = vector.broadcast %jit3A_182 : i32 to vector<16xi32>
        %broadcast_in_dim3A_185 = vector.broadcast %jit3A_183 : i32 to vector<16xi32>
        %select_n3A_186 = arith.select %gt3A_181, %broadcast_in_dim3A_184, %broadcast_in_dim3A_185 : vector<16xi1>, vector<16xi32>
        %add3A_187 = arith.addi %scan3A_144, %select_n3A_186 : vector<16xi32>
        %add3A_188 = arith.constant 48 : i32
        %add3A_189 = arith.addi %mul3A_149, %add3A_188 : i32
        %get3A_190 = arith.index_cast %add3A_189 : i32 to index
        %get3A_191 = tpu.vector_load %arg5[%get3A_190] {strides = array<i32>} : memref<8736xf32, #tpu.memory_space<vmem>>, vector<16xf32>,
        %get3A_192 = vector.shape_cast %get3A_191 : vector<16xf32> to vector<16xf32>
        %bitcast_convert_type3A_193 = tpu.bitcast %get3A_192 : vector<16xf32> -> vector<16xi32>
        %gt3A_194 = arith.cmpi sgt, %bitcast_convert_type3A_193, %add3A_93 : vector<16xi32>
        %jit3A_195 = arith.constant 1 : i32
        %jit3A_196 = arith.constant 0 : i32
        %broadcast_in_dim3A_197 = vector.broadcast %jit3A_195 : i32 to vector<16xi32>
        %broadcast_in_dim3A_198 = vector.broadcast %jit3A_196 : i32 to vector<16xi32>
        %select_n3A_199 = arith.select %gt3A_194, %broadcast_in_dim3A_197, %broadcast_in_dim3A_198 : vector<16xi1>, vector<16xi32>
        %add3A_200 = arith.addi %scan3A_145, %select_n3A_199 : vector<16xi32>
        %add3A_201 = arith.constant 64 : i32
        %add3A_202 = arith.addi %mul3A_149, %add3A_201 : i32
        %get3A_203 = arith.index_cast %add3A_202 : i32 to index
        %get3A_204 = tpu.vector_load %arg5[%get3A_203] {strides = array<i32>} : memref<8736xf32, #tpu.memory_space<vmem>>, vector<16xf32>,
        %get3A_205 = vector.shape_cast %get3A_204 : vector<16xf32> to vector<16xf32>
        %bitcast_convert_type3A_206 = tpu.bitcast %get3A_205 : vector<16xf32> -> vector<16xi32>
        %gt3A_207 = arith.cmpi sgt, %bitcast_convert_type3A_206, %add3A_93 : vector<16xi32>
        %jit3A_208 = arith.constant 1 : i32
        %jit3A_209 = arith.constant 0 : i32
        %broadcast_in_dim3A_210 = vector.broadcast %jit3A_208 : i32 to vector<16xi32>
        %broadcast_in_dim3A_211 = vector.broadcast %jit3A_209 : i32 to vector<16xi32>
        %select_n3A_212 = arith.select %gt3A_207, %broadcast_in_dim3A_210, %broadcast_in_dim3A_211 : vector<16xi1>, vector<16xi32>
        %add3A_213 = arith.addi %scan3A_146, %select_n3A_212 : vector<16xi32>
        %add3A_214 = arith.constant 80 : i32
        %add3A_215 = arith.addi %mul3A_149, %add3A_214 : i32
        %get3A_216 = arith.index_cast %add3A_215 : i32 to index
        %get3A_217 = tpu.vector_load %arg5[%get3A_216] {strides = array<i32>} : memref<8736xf32, #tpu.memory_space<vmem>>, vector<16xf32>,
        %get3A_218 = vector.shape_cast %get3A_217 : vector<16xf32> to vector<16xf32>
        %bitcast_convert_type3A_219 = tpu.bitcast %get3A_218 : vector<16xf32> -> vector<16xi32>
        %gt3A_220 = arith.cmpi sgt, %bitcast_convert_type3A_219, %add3A_93 : vector<16xi32>
        %jit3A_221 = arith.constant 1 : i32
        %jit3A_222 = arith.constant 0 : i32
        %broadcast_in_dim3A_223 = vector.broadcast %jit3A_221 : i32 to vector<16xi32>
        %broadcast_in_dim3A_224 = vector.broadcast %jit3A_222 : i32 to vector<16xi32>
        %select_n3A_225 = arith.select %gt3A_220, %broadcast_in_dim3A_223, %broadcast_in_dim3A_224 : vector<16xi1>, vector<16xi32>
        %add3A_226 = arith.addi %scan3A_147, %select_n3A_225 : vector<16xi32>
        scf.yield %add3A_161, %add3A_174, %add3A_187, %add3A_200, %add3A_213, %add3A_226 : vector<16xi32>, vector<16xi32>, vector<16xi32>, vector<16xi32>, vector<16xi32>, vector<16xi32>
      }
      %scan3A_101 = arith.constant 91 : i32
      %add3A_102 = arith.addi %scan3A_100#0, %scan3A_100#1 : vector<16xi32>
      %add3A_103 = arith.addi %add3A_102, %scan3A_100#2 : vector<16xi32>
      %add3A_104 = arith.addi %scan3A_100#3, %scan3A_100#4 : vector<16xi32>
      %add3A_105 = arith.addi %add3A_104, %scan3A_100#5 : vector<16xi32>
      %add3A_106 = arith.addi %add3A_103, %add3A_105 : vector<16xi32>
      %iota3A_107 = tpu.iota {dimensions = array<i32: 0>} : vector<16xi32>
      %xor3A_108 = arith.constant 8 : i32
      %xor3A_109 = vector.broadcast %xor3A_108 : i32 to vector<16xi32>
      %xor3A_110 = arith.xori %iota3A_107, %xor3A_109 : vector<16xi32>
      %broadcast_in_dim3A_111 = vector.shape_cast %xor3A_110 : vector<16xi32> to vector<16x1xi32>
      %gather3A_112 = vector.shape_cast %broadcast_in_dim3A_111 : vector<16x1xi32> to vector<16xi32>
      %gather3A_113 = tpu.dynamic_gather %add3A_106[%gather3A_112] in [0] : vector<16xi32>, vector<16xi32> -> vector<16xi32>
      %add3A_114 = arith.addi %add3A_106, %gather3A_113 : vector<16xi32>
      %xor3A_115 = arith.constant 4 : i32
      %xor3A_116 = vector.broadcast %xor3A_115 : i32 to vector<16xi32>
      %xor3A_117 = arith.xori %iota3A_107, %xor3A_116 : vector<16xi32>
      %broadcast_in_dim3A_118 = vector.shape_cast %xor3A_117 : vector<16xi32> to vector<16x1xi32>
      %gather3A_119 = vector.shape_cast %broadcast_in_dim3A_118 : vector<16x1xi32> to vector<16xi32>
      %gather3A_120 = tpu.dynamic_gather %add3A_114[%gather3A_119] in [0] : vector<16xi32>, vector<16xi32> -> vector<16xi32>
      %add3A_121 = arith.addi %add3A_114, %gather3A_120 : vector<16xi32>
      %xor3A_122 = arith.constant 2 : i32
      %xor3A_123 = vector.broadcast %xor3A_122 : i32 to vector<16xi32>
      %xor3A_124 = arith.xori %iota3A_107, %xor3A_123 : vector<16xi32>
      %broadcast_in_dim3A_125 = vector.shape_cast %xor3A_124 : vector<16xi32> to vector<16x1xi32>
      %gather3A_126 = vector.shape_cast %broadcast_in_dim3A_125 : vector<16x1xi32> to vector<16xi32>
      %gather3A_127 = tpu.dynamic_gather %add3A_121[%gather3A_126] in [0] : vector<16xi32>, vector<16xi32> -> vector<16xi32>
      %add3A_128 = arith.addi %add3A_121, %gather3A_127 : vector<16xi32>
      %xor3A_129 = arith.constant 1 : i32
      %xor3A_130 = vector.broadcast %xor3A_129 : i32 to vector<16xi32>
      %xor3A_131 = arith.xori %iota3A_107, %xor3A_130 : vector<16xi32>
      %broadcast_in_dim3A_132 = vector.shape_cast %xor3A_131 : vector<16xi32> to vector<16x1xi32>
      %gather3A_133 = vector.shape_cast %broadcast_in_dim3A_132 : vector<16x1xi32> to vector<16xi32>
      %gather3A_134 = tpu.dynamic_gather %add3A_128[%gather3A_133] in [0] : vector<16xi32>, vector<16xi32> -> vector<16xi32>
      %add3A_135 = arith.addi %add3A_128, %gather3A_134 : vector<16xi32>
      %ge3A = arith.cmpi sge, %add3A_135, %get3A_2 : vector<16xi32>
      %add3A_136 = arith.constant 1 : i32
      %add3A_137 = vector.broadcast %add3A_136 : i32 to vector<16xi32>
      %add3A_138 = arith.addi %add3A_93, %add3A_137 : vector<16xi32>
      %select_n3A_139 = arith.select %ge3A, %add3A_138, %scan3A_88 : vector<16xi1>, vector<16xi32>
      %select_n3A_140 = arith.select %ge3A, %scan3A_89, %add3A_93 : vector<16xi1>, vector<16xi32>
      scf.yield %select_n3A_139, %select_n3A_140 : vector<16xi32>, vector<16xi32>
    }
    %scan3A_10 = arith.constant 32 : i32
    %bitcast_convert_type3A = tpu.bitcast %scan3A_9#1 : vector<16xi32> -> vector<16xf32>
    %broadcast_in_dim3A_11 = arith.constant 0 : i32
    %broadcast_in_dim3A_12 = vector.broadcast %broadcast_in_dim3A_11 : i32 to vector<16xi32>
    %broadcast_in_dim3A_13 = arith.constant 0.000000e+00 : f32
    %broadcast_in_dim3A_14 = vector.broadcast %broadcast_in_dim3A_13 : f32 to vector<16xf32>
    %scan3A_15 = arith.constant 0 : i32
    %scan3A_16 = arith.constant 182 : i32
    %scan3A_17 = arith.addi %scan3A_15, %scan3A_16 : i32
    %scan3A_18 = arith.constant 1 : i32
    %scan3A_19:6 = scf.for %scan3A_87 = %scan3A_15 to %scan3A_17 step %scan3A_18 iter_args(%scan3A_88 = %broadcast_in_dim3A_12, %scan3A_89 = %broadcast_in_dim3A_12, %scan3A_90 = %broadcast_in_dim3A_12, %scan3A_91 = %broadcast_in_dim3A_14, %scan3A_92 = %broadcast_in_dim3A_14, %scan3A_93 = %broadcast_in_dim3A_14) -> (vector<16xi32>, vector<16xi32>, vector<16xi32>, vector<16xf32>, vector<16xf32>, vector<16xf32>)  : i32 {
      %mul3A_94 = arith.constant 48 : i32
      %mul3A_95 = arith.muli %scan3A_87, %mul3A_94 : i32
      %get3A_96 = arith.index_cast %mul3A_95 : i32 to index
      %get3A_97 = tpu.vector_load %arg5[%get3A_96] {strides = array<i32>} : memref<8736xf32, #tpu.memory_space<vmem>>, vector<16xf32>,
      %get3A_98 = vector.shape_cast %get3A_97 : vector<16xf32> to vector<16xf32>
      %add3A_99 = arith.constant 16 : i32
      %add3A_100 = arith.addi %mul3A_95, %add3A_99 : i32
      %get3A_101 = arith.index_cast %add3A_100 : i32 to index
      %get3A_102 = tpu.vector_load %arg5[%get3A_101] {strides = array<i32>} : memref<8736xf32, #tpu.memory_space<vmem>>, vector<16xf32>,
      %get3A_103 = vector.shape_cast %get3A_102 : vector<16xf32> to vector<16xf32>
      %add3A_104 = arith.constant 32 : i32
      %add3A_105 = arith.addi %mul3A_95, %add3A_104 : i32
      %get3A_106 = arith.index_cast %add3A_105 : i32 to index
      %get3A_107 = tpu.vector_load %arg5[%get3A_106] {strides = array<i32>} : memref<8736xf32, #tpu.memory_space<vmem>>, vector<16xf32>,
      %get3A_108 = vector.shape_cast %get3A_107 : vector<16xf32> to vector<16xf32>
      %gt3A_109 = arith.cmpf ogt, %get3A_98, %bitcast_convert_type3A : vector<16xf32>
      %gt3A_110 = arith.cmpf ogt, %get3A_103, %bitcast_convert_type3A : vector<16xf32>
      %gt3A_111 = arith.cmpf ogt, %get3A_108, %bitcast_convert_type3A : vector<16xf32>
      %jit3A = arith.constant 1 : i32
      %jit3A_112 = arith.constant 0 : i32
      %broadcast_in_dim3A_113 = vector.broadcast %jit3A : i32 to vector<16xi32>
      %broadcast_in_dim3A_114 = vector.broadcast %jit3A_112 : i32 to vector<16xi32>
      %select_n3A_115 = arith.select %gt3A_109, %broadcast_in_dim3A_113, %broadcast_in_dim3A_114 : vector<16xi1>, vector<16xi32>
      %add3A_116 = arith.addi %scan3A_88, %select_n3A_115 : vector<16xi32>
      %jit3A_117 = arith.constant 1 : i32
      %jit3A_118 = arith.constant 0 : i32
      %broadcast_in_dim3A_119 = vector.broadcast %jit3A_117 : i32 to vector<16xi32>
      %broadcast_in_dim3A_120 = vector.broadcast %jit3A_118 : i32 to vector<16xi32>
      %select_n3A_121 = arith.select %gt3A_110, %broadcast_in_dim3A_119, %broadcast_in_dim3A_120 : vector<16xi1>, vector<16xi32>
      %add3A_122 = arith.addi %scan3A_89, %select_n3A_121 : vector<16xi32>
      %jit3A_123 = arith.constant 1 : i32
      %jit3A_124 = arith.constant 0 : i32
      %broadcast_in_dim3A_125 = vector.broadcast %jit3A_123 : i32 to vector<16xi32>
      %broadcast_in_dim3A_126 = vector.broadcast %jit3A_124 : i32 to vector<16xi32>
      %select_n3A_127 = arith.select %gt3A_111, %broadcast_in_dim3A_125, %broadcast_in_dim3A_126 : vector<16xi1>, vector<16xi32>
      %add3A_128 = arith.addi %scan3A_90, %select_n3A_127 : vector<16xi32>
      %jit3A_129 = arith.constant 0.000000e+00 : f32
      %broadcast_in_dim3A_130 = vector.broadcast %jit3A_129 : f32 to vector<16xf32>
      %select_n3A_131 = arith.select %gt3A_109, %get3A_98, %broadcast_in_dim3A_130 : vector<16xi1>, vector<16xf32>
      %add3A_132 = arith.addf %scan3A_91, %select_n3A_131 : vector<16xf32>
      %jit3A_133 = arith.constant 0.000000e+00 : f32
      %broadcast_in_dim3A_134 = vector.broadcast %jit3A_133 : f32 to vector<16xf32>
      %select_n3A_135 = arith.select %gt3A_110, %get3A_103, %broadcast_in_dim3A_134 : vector<16xi1>, vector<16xf32>
      %add3A_136 = arith.addf %scan3A_92, %select_n3A_135 : vector<16xf32>
      %jit3A_137 = arith.constant 0.000000e+00 : f32
      %broadcast_in_dim3A_138 = vector.broadcast %jit3A_137 : f32 to vector<16xf32>
      %select_n3A_139 = arith.select %gt3A_111, %get3A_108, %broadcast_in_dim3A_138 : vector<16xi1>, vector<16xf32>
      %add3A_140 = arith.addf %scan3A_93, %select_n3A_139 : vector<16xf32>
      scf.yield %add3A_116, %add3A_122, %add3A_128, %add3A_132, %add3A_136, %add3A_140 : vector<16xi32>, vector<16xi32>, vector<16xi32>, vector<16xf32>, vector<16xf32>, vector<16xf32>
    }
    %scan3A_20 = arith.constant 182 : i32
    %add3A_21 = arith.addi %scan3A_19#0, %scan3A_19#1 : vector<16xi32>
    %add3A_22 = arith.addi %add3A_21, %scan3A_19#2 : vector<16xi32>
    %add3A_23 = arith.addf %scan3A_19#3, %scan3A_19#4 : vector<16xf32>
    %add3A_24 = arith.addf %add3A_23, %scan3A_19#5 : vector<16xf32>
    %iota3A = tpu.iota {dimensions = array<i32: 0>} : vector<16xi32>
    %xor3A = arith.constant 8 : i32
    %xor3A_25 = vector.broadcast %xor3A : i32 to vector<16xi32>
    %xor3A_26 = arith.xori %iota3A, %xor3A_25 : vector<16xi32>
    %broadcast_in_dim3A_27 = vector.shape_cast %xor3A_26 : vector<16xi32> to vector<16x1xi32>
    %gather3A = vector.shape_cast %broadcast_in_dim3A_27 : vector<16x1xi32> to vector<16xi32>
    %gather3A_28 = tpu.dynamic_gather %add3A_22[%gather3A] in [0] : vector<16xi32>, vector<16xi32> -> vector<16xi32>
    %add3A_29 = arith.addi %add3A_22, %gather3A_28 : vector<16xi32>
    %xor3A_30 = arith.constant 4 : i32
    %xor3A_31 = vector.broadcast %xor3A_30 : i32 to vector<16xi32>
    %xor3A_32 = arith.xori %iota3A, %xor3A_31 : vector<16xi32>
    %broadcast_in_dim3A_33 = vector.shape_cast %xor3A_32 : vector<16xi32> to vector<16x1xi32>
    %gather3A_34 = vector.shape_cast %broadcast_in_dim3A_33 : vector<16x1xi32> to vector<16xi32>
    %gather3A_35 = tpu.dynamic_gather %add3A_29[%gather3A_34] in [0] : vector<16xi32>, vector<16xi32> -> vector<16xi32>
    %add3A_36 = arith.addi %add3A_29, %gather3A_35 : vector<16xi32>
    %xor3A_37 = arith.constant 2 : i32
    %xor3A_38 = vector.broadcast %xor3A_37 : i32 to vector<16xi32>
    %xor3A_39 = arith.xori %iota3A, %xor3A_38 : vector<16xi32>
    %broadcast_in_dim3A_40 = vector.shape_cast %xor3A_39 : vector<16xi32> to vector<16x1xi32>
    %gather3A_41 = vector.shape_cast %broadcast_in_dim3A_40 : vector<16x1xi32> to vector<16xi32>
    %gather3A_42 = tpu.dynamic_gather %add3A_36[%gather3A_41] in [0] : vector<16xi32>, vector<16xi32> -> vector<16xi32>
    %add3A_43 = arith.addi %add3A_36, %gather3A_42 : vector<16xi32>
    %xor3A_44 = arith.constant 1 : i32
    %xor3A_45 = vector.broadcast %xor3A_44 : i32 to vector<16xi32>
    %xor3A_46 = arith.xori %iota3A, %xor3A_45 : vector<16xi32>
    %broadcast_in_dim3A_47 = vector.shape_cast %xor3A_46 : vector<16xi32> to vector<16x1xi32>
    %gather3A_48 = vector.shape_cast %broadcast_in_dim3A_47 : vector<16x1xi32> to vector<16xi32>
    %gather3A_49 = tpu.dynamic_gather %add3A_43[%gather3A_48] in [0] : vector<16xi32>, vector<16xi32> -> vector<16xi32>
    %add3A_50 = arith.addi %add3A_43, %gather3A_49 : vector<16xi32>
    %iota3A_51 = tpu.iota {dimensions = array<i32: 0>} : vector<16xi32>
    %xor3A_52 = arith.constant 8 : i32
    %xor3A_53 = vector.broadcast %xor3A_52 : i32 to vector<16xi32>
    %xor3A_54 = arith.xori %iota3A_51, %xor3A_53 : vector<16xi32>
    %broadcast_in_dim3A_55 = vector.shape_cast %xor3A_54 : vector<16xi32> to vector<16x1xi32>
    %gather3A_56 = vector.shape_cast %broadcast_in_dim3A_55 : vector<16x1xi32> to vector<16xi32>
    %gather3A_57 = tpu.dynamic_gather %add3A_24[%gather3A_56] in [0] : vector<16xf32>, vector<16xi32> -> vector<16xf32>
    %add3A_58 = arith.addf %add3A_24, %gather3A_57 : vector<16xf32>
    %xor3A_59 = arith.constant 4 : i32
    %xor3A_60 = vector.broadcast %xor3A_59 : i32 to vector<16xi32>
    %xor3A_61 = arith.xori %iota3A_51, %xor3A_60 : vector<16xi32>
    %broadcast_in_dim3A_62 = vector.shape_cast %xor3A_61 : vector<16xi32> to vector<16x1xi32>
    %gather3A_63 = vector.shape_cast %broadcast_in_dim3A_62 : vector<16x1xi32> to vector<16xi32>
    %gather3A_64 = tpu.dynamic_gather %add3A_58[%gather3A_63] in [0] : vector<16xf32>, vector<16xi32> -> vector<16xf32>
    %add3A_65 = arith.addf %add3A_58, %gather3A_64 : vector<16xf32>
    %xor3A_66 = arith.constant 2 : i32
    %xor3A_67 = vector.broadcast %xor3A_66 : i32 to vector<16xi32>
    %xor3A_68 = arith.xori %iota3A_51, %xor3A_67 : vector<16xi32>
    %broadcast_in_dim3A_69 = vector.shape_cast %xor3A_68 : vector<16xi32> to vector<16x1xi32>
    %gather3A_70 = vector.shape_cast %broadcast_in_dim3A_69 : vector<16x1xi32> to vector<16xi32>
    %gather3A_71 = tpu.dynamic_gather %add3A_65[%gather3A_70] in [0] : vector<16xf32>, vector<16xi32> -> vector<16xf32>
    %add3A_72 = arith.addf %add3A_65, %gather3A_71 : vector<16xf32>
    %xor3A_73 = arith.constant 1 : i32
    %xor3A_74 = vector.broadcast %xor3A_73 : i32 to vector<16xi32>
    %xor3A_75 = arith.xori %iota3A_51, %xor3A_74 : vector<16xi32>
    %broadcast_in_dim3A_76 = vector.shape_cast %xor3A_75 : vector<16xi32> to vector<16x1xi32>
    %gather3A_77 = vector.shape_cast %broadcast_in_dim3A_76 : vector<16x1xi32> to vector<16xi32>
    %gather3A_78 = tpu.dynamic_gather %add3A_72[%gather3A_77] in [0] : vector<16xf32>, vector<16xi32> -> vector<16xf32>
    %add3A_79 = arith.addf %add3A_72, %gather3A_78 : vector<16xf32>
    %sub3A = arith.subi %get3A_2, %add3A_50 : vector<16xi32>
    %convert_element_type3A = arith.sitofp %sub3A : vector<16xi32> to vector<16xf32>
    %gt3A = arith.cmpi sgt, %get3A_2, %add3A_50 : vector<16xi32>
    %mul3A_80 = arith.mulf %convert_element_type3A, %bitcast_convert_type3A : vector<16xf32>
    %broadcast_in_dim3A_81 = arith.constant 0.000000e+00 : f32
    %broadcast_in_dim3A_82 = vector.broadcast %broadcast_in_dim3A_81 : f32 to vector<16xf32>
    %select_n3A = arith.select %gt3A, %mul3A_80, %broadcast_in_dim3A_82 : vector<16xi1>, vector<16xf32>
    %add3A_83 = arith.addf %add3A_79, %select_n3A : vector<16xf32>
    %swap3A = arith.constant 0 : index
    %swap3A_84 = tpu.vector_load %arg7[%swap3A] {strides = array<i32>} : memref<16xf32, #tpu.memory_space<vmem>>, vector<16xf32>,
    %swap3A_85 = vector.shape_cast %swap3A_84 : vector<16xf32> to vector<16xf32>
    %swap3A_86 = vector.shape_cast %add3A_83 : vector<16xf32> to vector<16xf32>
    tpu.vector_store %arg7[%swap3A], %swap3A_86 {strides = array<i32>} : memref<16xf32, #tpu.memory_space<vmem>>, vector<16xf32>,
    "tpu.region"() ({
      %run_scoped3A = tpu.sem_alloc : memref<!tpu.dma_semaphore, #tpu.memory_space<semaphore_mem>>
      %dma_start3A = arith.constant 0 : i32
      %dma_start3A_87 = tpu.memref_slice %arg4[%add3A, %dma_start3A] : memref<32x16xf32, #tpu.memory_space<hbm>> -> memref<1x16xf32, #tpu.memory_space<hbm>>
      %dma_start3A_88 = tpu.memref_squeeze %dma_start3A_87 : memref<1x16xf32, #tpu.memory_space<hbm>> -> memref<16xf32, #tpu.memory_space<hbm>>
      %dma_start3A_89 = arith.constant 0 : i32
      %dma_start3A_90 = tpu.memref_slice %arg4[%add3A, %dma_start3A_89] : memref<32x16xf32, #tpu.memory_space<hbm>> -> memref<1x16xf32, #tpu.memory_space<hbm>>
      %dma_start3A_91 = tpu.memref_squeeze %dma_start3A_90 : memref<1x16xf32, #tpu.memory_space<hbm>> -> memref<16xf32, #tpu.memory_space<hbm>>
      tpu.enqueue_dma source(%arg7 : memref<16xf32, #tpu.memory_space<vmem>>) target(%dma_start3A_91 : memref<16xf32, #tpu.memory_space<hbm>>) target_semaphore(%run_scoped3A : memref<!tpu.dma_semaphore, #tpu.memory_space<semaphore_mem>>)
      %dma_wait3A = arith.constant 0 : i32
      %dma_wait3A_92 = tpu.memref_slice %arg4[%add3A, %dma_wait3A] : memref<32x16xf32, #tpu.memory_space<hbm>> -> memref<1x16xf32, #tpu.memory_space<hbm>>
      %dma_wait3A_93 = tpu.memref_squeeze %dma_wait3A_92 : memref<1x16xf32, #tpu.memory_space<hbm>> -> memref<16xf32, #tpu.memory_space<hbm>>
      %dma_wait3A_94 = arith.constant 0 : i32
      %dma_wait3A_95 = tpu.memref_slice %arg4[%add3A, %dma_wait3A_94] : memref<32x16xf32, #tpu.memory_space<hbm>> -> memref<1x16xf32, #tpu.memory_space<hbm>>
      %dma_wait3A_96 = tpu.memref_squeeze %dma_wait3A_95 : memref<1x16xf32, #tpu.memory_space<hbm>> -> memref<16xf32, #tpu.memory_space<hbm>>
      tpu.wait_dma2 semaphore(%run_scoped3A : memref<!tpu.dma_semaphore, #tpu.memory_space<semaphore_mem>>) src(%arg7 : memref<16xf32, #tpu.memory_space<vmem>>) dst(%dma_wait3A_96 : memref<16xf32, #tpu.memory_space<hbm>>)
      tpu.yield
    }) : () -> ()
    return
  }
}

module attributes {stable_mosaic.version = 14 : i64} {
  func.func @_main_body(%arg0: i32, %arg1: memref<8x4x8732xf32, #tpu.memory_space<vmem>>, %arg2: memref<8x21x8732xbf16, #tpu.memory_space<vmem>>, %arg3: memref<4x8732xf32, #tpu.memory_space<vmem>>, %arg4: memref<8x60xf32, #tpu.memory_space<vmem>>, %arg5: memref<1x4xf32, #tpu.memory_space<vmem>>, %arg6: memref<8x8736xf32, #tpu.memory_space<vmem>>, %arg7: memref<8x16xi32, #tpu.memory_space<vmem>>) attributes {dimension_semantics = [#tpu.dimension_semantics<arbitrary>], iteration_bounds = array<i64: 4>, scalar_prefetch = 0 : i64, scratch_operands = 0 : i64, tpu.core_type = #tpu.core_type<tc>, window_params = [{transform_indices = @transform_0, window_bounds = array<i64: 8, 4, 8732>}, {transform_indices = @transform_1, window_bounds = array<i64: 8, 21, 8732>}, {pipeline_mode = #tpu.pipeline_mode<synchronous>, transform_indices = @transform_2, window_bounds = array<i64: 4, 8732>}, {transform_indices = @transform_3, window_bounds = array<i64: 8, 60>}, {pipeline_mode = #tpu.pipeline_mode<synchronous>, transform_indices = @transform_4, window_bounds = array<i64: 1, 4>}, {transform_indices = @transform_5, window_bounds = array<i64: 8, 8736>}, {transform_indices = @transform_6, window_bounds = array<i64: 8, 16>}]} {
    %get3A = arith.constant 0 : index
    %get3A_0 = arith.constant 0 : index
    %get3A_1 = vector.load %arg3[%get3A, %get3A_0] : memref<4x8732xf32, #tpu.memory_space<vmem>>, vector<1x8732xf32>
    %get3A_2 = arith.constant 1 : index
    %get3A_3 = arith.constant 0 : index
    %get3A_4 = vector.load %arg3[%get3A_2, %get3A_3] : memref<4x8732xf32, #tpu.memory_space<vmem>>, vector<1x8732xf32>
    %get3A_5 = arith.constant 2 : index
    %get3A_6 = arith.constant 0 : index
    %get3A_7 = vector.load %arg3[%get3A_5, %get3A_6] : memref<4x8732xf32, #tpu.memory_space<vmem>>, vector<1x8732xf32>
    %get3A_8 = arith.constant 3 : index
    %get3A_9 = arith.constant 0 : index
    %get3A_10 = vector.load %arg3[%get3A_8, %get3A_9] : memref<4x8732xf32, #tpu.memory_space<vmem>>, vector<1x8732xf32>
    %mul3A = arith.constant 5.000000e-01 : f32
    %mul3A_11 = vector.broadcast %mul3A : f32 to vector<1x8732xf32>
    %mul3A_12 = arith.mulf %get3A_7, %mul3A_11 : vector<1x8732xf32>
    %sub3A = arith.subf %get3A_1, %mul3A_12 : vector<1x8732xf32>
    %mul3A_13 = arith.constant 5.000000e-01 : f32
    %mul3A_14 = vector.broadcast %mul3A_13 : f32 to vector<1x8732xf32>
    %mul3A_15 = arith.mulf %get3A_10, %mul3A_14 : vector<1x8732xf32>
    %sub3A_16 = arith.subf %get3A_4, %mul3A_15 : vector<1x8732xf32>
    %mul3A_17 = arith.constant 5.000000e-01 : f32
    %mul3A_18 = vector.broadcast %mul3A_17 : f32 to vector<1x8732xf32>
    %mul3A_19 = arith.mulf %get3A_7, %mul3A_18 : vector<1x8732xf32>
    %add3A = arith.addf %get3A_1, %mul3A_19 : vector<1x8732xf32>
    %mul3A_20 = arith.constant 5.000000e-01 : f32
    %mul3A_21 = vector.broadcast %mul3A_20 : f32 to vector<1x8732xf32>
    %mul3A_22 = arith.mulf %get3A_10, %mul3A_21 : vector<1x8732xf32>
    %add3A_23 = arith.addf %get3A_4, %mul3A_22 : vector<1x8732xf32>
    %mul3A_24 = arith.mulf %get3A_7, %get3A_10 : vector<1x8732xf32>
    %iota3A = tpu.iota {dimensions = array<i32: 1>} : vector<8x8732xi32>
    %get3A_25 = arith.constant 0 : index
    %get3A_26 = arith.constant 0 : index
    %get3A_27 = vector.load %arg4[%get3A_25, %get3A_26] : memref<8x60xf32, #tpu.memory_space<vmem>>, vector<8x60xf32>
    %slice3A = vector.extract_strided_slice %get3A_27 {offsets = [0, 0], sizes = [8, 1], strides = [1, 1]} : vector<8x60xf32> to vector<8x1xf32>
    %slice3A_28 = vector.extract_strided_slice %get3A_27 {offsets = [0, 12], sizes = [8, 1], strides = [1, 1]} : vector<8x60xf32> to vector<8x1xf32>
    %slice3A_29 = vector.extract_strided_slice %get3A_27 {offsets = [0, 24], sizes = [8, 1], strides = [1, 1]} : vector<8x60xf32> to vector<8x1xf32>
    %slice3A_30 = vector.extract_strided_slice %get3A_27 {offsets = [0, 36], sizes = [8, 1], strides = [1, 1]} : vector<8x60xf32> to vector<8x1xf32>
    %slice3A_31 = vector.extract_strided_slice %get3A_27 {offsets = [0, 48], sizes = [8, 1], strides = [1, 1]} : vector<8x60xf32> to vector<8x1xf32>
    %min3A = vector.broadcast %slice3A_29 : vector<8x1xf32> to vector<8x8732xf32>
    %min3A_32 = vector.broadcast %add3A : vector<1x8732xf32> to vector<8x8732xf32>
    %min3A_33 = arith.minimumf %min3A, %min3A_32 : vector<8x8732xf32>
    %max3A = vector.broadcast %slice3A : vector<8x1xf32> to vector<8x8732xf32>
    %max3A_34 = vector.broadcast %sub3A : vector<1x8732xf32> to vector<8x8732xf32>
    %max3A_35 = arith.maximumf %max3A, %max3A_34 : vector<8x8732xf32>
    %sub3A_36 = arith.subf %min3A_33, %max3A_35 : vector<8x8732xf32>
    %max3A_37 = arith.constant 0.000000e+00 : f32
    %max3A_38 = vector.broadcast %max3A_37 : f32 to vector<8x8732xf32>
    %max3A_39 = arith.maximumf %sub3A_36, %max3A_38 : vector<8x8732xf32>
    %min3A_40 = vector.broadcast %slice3A_30 : vector<8x1xf32> to vector<8x8732xf32>
    %min3A_41 = vector.broadcast %add3A_23 : vector<1x8732xf32> to vector<8x8732xf32>
    %min3A_42 = arith.minimumf %min3A_40, %min3A_41 : vector<8x8732xf32>
    %max3A_43 = vector.broadcast %slice3A_28 : vector<8x1xf32> to vector<8x8732xf32>
    %max3A_44 = vector.broadcast %sub3A_16 : vector<1x8732xf32> to vector<8x8732xf32>
    %max3A_45 = arith.maximumf %max3A_43, %max3A_44 : vector<8x8732xf32>
    %sub3A_46 = arith.subf %min3A_42, %max3A_45 : vector<8x8732xf32>
    %max3A_47 = arith.constant 0.000000e+00 : f32
    %max3A_48 = vector.broadcast %max3A_47 : f32 to vector<8x8732xf32>
    %max3A_49 = arith.maximumf %sub3A_46, %max3A_48 : vector<8x8732xf32>
    %mul3A_50 = arith.mulf %max3A_39, %max3A_49 : vector<8x8732xf32>
    %sub3A_51 = arith.subf %slice3A_29, %slice3A : vector<8x1xf32>
    %sub3A_52 = arith.subf %slice3A_30, %slice3A_28 : vector<8x1xf32>
    %mul3A_53 = arith.mulf %sub3A_51, %sub3A_52 : vector<8x1xf32>
    %add3A_54 = vector.broadcast %mul3A_53 : vector<8x1xf32> to vector<8x8732xf32>
    %add3A_55 = vector.broadcast %mul3A_24 : vector<1x8732xf32> to vector<8x8732xf32>
    %add3A_56 = arith.addf %add3A_54, %add3A_55 : vector<8x8732xf32>
    %sub3A_57 = arith.subf %add3A_56, %mul3A_50 : vector<8x8732xf32>
    %div3A = arith.divf %mul3A_50, %sub3A_57 : vector<8x8732xf32>
    %reduce_max3A = arith.constant dense<0xFF800000> : vector<8xf32>
    %reduce_max3A_58 = vector.multi_reduction <maximumf>, %div3A, %reduce_max3A [1] : vector<8x8732xf32> to vector<8xf32>
    %broadcast_in_dim3A = vector.shape_cast %reduce_max3A_58 : vector<8xf32> to vector<8x1xf32>
    %eq3A = vector.broadcast %broadcast_in_dim3A : vector<8x1xf32> to vector<8x8732xf32>
    %eq3A_59 = arith.cmpf oeq, %div3A, %eq3A : vector<8x8732xf32>
    %jit3A = arith.constant 8732 : i32
    %broadcast_in_dim3A_60 = vector.broadcast %jit3A : i32 to vector<8x8732xi32>
    %select_n3A = arith.select %eq3A_59, %iota3A, %broadcast_in_dim3A_60 : vector<8x8732xi1>, vector<8x8732xi32>
    %reduce_min3A = arith.constant dense<2147483647> : vector<8xi32>
    %reduce_min3A_61 = vector.multi_reduction <minsi>, %select_n3A, %reduce_min3A [1] : vector<8x8732xi32> to vector<8xi32>
    %broadcast_in_dim3A_62 = vector.shape_cast %reduce_min3A_61 : vector<8xi32> to vector<8x1xi32>
    %broadcast_in_dim3A_63 = arith.constant 0 : i32
    %broadcast_in_dim3A_64 = vector.broadcast %broadcast_in_dim3A_63 : i32 to vector<8x8732xi32>
    %slice3A_65 = vector.extract_strided_slice %get3A_27 {offsets = [0, 1], sizes = [8, 1], strides = [1, 1]} : vector<8x60xf32> to vector<8x1xf32>
    %slice3A_66 = vector.extract_strided_slice %get3A_27 {offsets = [0, 13], sizes = [8, 1], strides = [1, 1]} : vector<8x60xf32> to vector<8x1xf32>
    %slice3A_67 = vector.extract_strided_slice %get3A_27 {offsets = [0, 25], sizes = [8, 1], strides = [1, 1]} : vector<8x60xf32> to vector<8x1xf32>
    %slice3A_68 = vector.extract_strided_slice %get3A_27 {offsets = [0, 37], sizes = [8, 1], strides = [1, 1]} : vector<8x60xf32> to vector<8x1xf32>
    %slice3A_69 = vector.extract_strided_slice %get3A_27 {offsets = [0, 49], sizes = [8, 1], strides = [1, 1]} : vector<8x60xf32> to vector<8x1xf32>
    %min3A_70 = vector.broadcast %slice3A_67 : vector<8x1xf32> to vector<8x8732xf32>
    %min3A_71 = vector.broadcast %add3A : vector<1x8732xf32> to vector<8x8732xf32>
    %min3A_72 = arith.minimumf %min3A_70, %min3A_71 : vector<8x8732xf32>
    %max3A_73 = vector.broadcast %slice3A_65 : vector<8x1xf32> to vector<8x8732xf32>
    %max3A_74 = vector.broadcast %sub3A : vector<1x8732xf32> to vector<8x8732xf32>
    %max3A_75 = arith.maximumf %max3A_73, %max3A_74 : vector<8x8732xf32>
    %sub3A_76 = arith.subf %min3A_72, %max3A_75 : vector<8x8732xf32>
    %max3A_77 = arith.constant 0.000000e+00 : f32
    %max3A_78 = vector.broadcast %max3A_77 : f32 to vector<8x8732xf32>
    %max3A_79 = arith.maximumf %sub3A_76, %max3A_78 : vector<8x8732xf32>
    %min3A_80 = vector.broadcast %slice3A_68 : vector<8x1xf32> to vector<8x8732xf32>
    %min3A_81 = vector.broadcast %add3A_23 : vector<1x8732xf32> to vector<8x8732xf32>
    %min3A_82 = arith.minimumf %min3A_80, %min3A_81 : vector<8x8732xf32>
    %max3A_83 = vector.broadcast %slice3A_66 : vector<8x1xf32> to vector<8x8732xf32>
    %max3A_84 = vector.broadcast %sub3A_16 : vector<1x8732xf32> to vector<8x8732xf32>
    %max3A_85 = arith.maximumf %max3A_83, %max3A_84 : vector<8x8732xf32>
    %sub3A_86 = arith.subf %min3A_82, %max3A_85 : vector<8x8732xf32>
    %max3A_87 = arith.constant 0.000000e+00 : f32
    %max3A_88 = vector.broadcast %max3A_87 : f32 to vector<8x8732xf32>
    %max3A_89 = arith.maximumf %sub3A_86, %max3A_88 : vector<8x8732xf32>
    %mul3A_90 = arith.mulf %max3A_79, %max3A_89 : vector<8x8732xf32>
    %sub3A_91 = arith.subf %slice3A_67, %slice3A_65 : vector<8x1xf32>
    %sub3A_92 = arith.subf %slice3A_68, %slice3A_66 : vector<8x1xf32>
    %mul3A_93 = arith.mulf %sub3A_91, %sub3A_92 : vector<8x1xf32>
    %add3A_94 = vector.broadcast %mul3A_93 : vector<8x1xf32> to vector<8x8732xf32>
    %add3A_95 = vector.broadcast %mul3A_24 : vector<1x8732xf32> to vector<8x8732xf32>
    %add3A_96 = arith.addf %add3A_94, %add3A_95 : vector<8x8732xf32>
    %sub3A_97 = arith.subf %add3A_96, %mul3A_90 : vector<8x8732xf32>
    %div3A_98 = arith.divf %mul3A_90, %sub3A_97 : vector<8x8732xf32>
    %reduce_max3A_99 = arith.constant dense<0xFF800000> : vector<8xf32>
    %reduce_max3A_100 = vector.multi_reduction <maximumf>, %div3A_98, %reduce_max3A_99 [1] : vector<8x8732xf32> to vector<8xf32>
    %broadcast_in_dim3A_101 = vector.shape_cast %reduce_max3A_100 : vector<8xf32> to vector<8x1xf32>
    %eq3A_102 = vector.broadcast %broadcast_in_dim3A_101 : vector<8x1xf32> to vector<8x8732xf32>
    %eq3A_103 = arith.cmpf oeq, %div3A_98, %eq3A_102 : vector<8x8732xf32>
    %jit3A_104 = arith.constant 8732 : i32
    %broadcast_in_dim3A_105 = vector.broadcast %jit3A_104 : i32 to vector<8x8732xi32>
    %select_n3A_106 = arith.select %eq3A_103, %iota3A, %broadcast_in_dim3A_105 : vector<8x8732xi1>, vector<8x8732xi32>
    %reduce_min3A_107 = arith.constant dense<2147483647> : vector<8xi32>
    %reduce_min3A_108 = vector.multi_reduction <minsi>, %select_n3A_106, %reduce_min3A_107 [1] : vector<8x8732xi32> to vector<8xi32>
    %broadcast_in_dim3A_109 = vector.shape_cast %reduce_min3A_108 : vector<8xi32> to vector<8x1xi32>
    %gt3A = arith.cmpf ogt, %div3A_98, %div3A : vector<8x8732xf32>
    %jit3A_110 = arith.constant 1 : i32
    %broadcast_in_dim3A_111 = vector.broadcast %jit3A_110 : i32 to vector<8x8732xi32>
    %select_n3A_112 = arith.select %gt3A, %broadcast_in_dim3A_111, %broadcast_in_dim3A_64 : vector<8x8732xi1>, vector<8x8732xi32>
    %select_n3A_113 = arith.select %gt3A, %div3A_98, %div3A : vector<8x8732xi1>, vector<8x8732xf32>
    %slice3A_114 = vector.extract_strided_slice %get3A_27 {offsets = [0, 2], sizes = [8, 1], strides = [1, 1]} : vector<8x60xf32> to vector<8x1xf32>
    %slice3A_115 = vector.extract_strided_slice %get3A_27 {offsets = [0, 14], sizes = [8, 1], strides = [1, 1]} : vector<8x60xf32> to vector<8x1xf32>
    %slice3A_116 = vector.extract_strided_slice %get3A_27 {offsets = [0, 26], sizes = [8, 1], strides = [1, 1]} : vector<8x60xf32> to vector<8x1xf32>
    %slice3A_117 = vector.extract_strided_slice %get3A_27 {offsets = [0, 38], sizes = [8, 1], strides = [1, 1]} : vector<8x60xf32> to vector<8x1xf32>
    %slice3A_118 = vector.extract_strided_slice %get3A_27 {offsets = [0, 50], sizes = [8, 1], strides = [1, 1]} : vector<8x60xf32> to vector<8x1xf32>
    %min3A_119 = vector.broadcast %slice3A_116 : vector<8x1xf32> to vector<8x8732xf32>
    %min3A_120 = vector.broadcast %add3A : vector<1x8732xf32> to vector<8x8732xf32>
    %min3A_121 = arith.minimumf %min3A_119, %min3A_120 : vector<8x8732xf32>
    %max3A_122 = vector.broadcast %slice3A_114 : vector<8x1xf32> to vector<8x8732xf32>
    %max3A_123 = vector.broadcast %sub3A : vector<1x8732xf32> to vector<8x8732xf32>
    %max3A_124 = arith.maximumf %max3A_122, %max3A_123 : vector<8x8732xf32>
    %sub3A_125 = arith.subf %min3A_121, %max3A_124 : vector<8x8732xf32>
    %max3A_126 = arith.constant 0.000000e+00 : f32
    %max3A_127 = vector.broadcast %max3A_126 : f32 to vector<8x8732xf32>
    %max3A_128 = arith.maximumf %sub3A_125, %max3A_127 : vector<8x8732xf32>
    %min3A_129 = vector.broadcast %slice3A_117 : vector<8x1xf32> to vector<8x8732xf32>
    %min3A_130 = vector.broadcast %add3A_23 : vector<1x8732xf32> to vector<8x8732xf32>
    %min3A_131 = arith.minimumf %min3A_129, %min3A_130 : vector<8x8732xf32>
    %max3A_132 = vector.broadcast %slice3A_115 : vector<8x1xf32> to vector<8x8732xf32>
    %max3A_133 = vector.broadcast %sub3A_16 : vector<1x8732xf32> to vector<8x8732xf32>
    %max3A_134 = arith.maximumf %max3A_132, %max3A_133 : vector<8x8732xf32>
    %sub3A_135 = arith.subf %min3A_131, %max3A_134 : vector<8x8732xf32>
    %max3A_136 = arith.constant 0.000000e+00 : f32
    %max3A_137 = vector.broadcast %max3A_136 : f32 to vector<8x8732xf32>
    %max3A_138 = arith.maximumf %sub3A_135, %max3A_137 : vector<8x8732xf32>
    %mul3A_139 = arith.mulf %max3A_128, %max3A_138 : vector<8x8732xf32>
    %sub3A_140 = arith.subf %slice3A_116, %slice3A_114 : vector<8x1xf32>
    %sub3A_141 = arith.subf %slice3A_117, %slice3A_115 : vector<8x1xf32>
    %mul3A_142 = arith.mulf %sub3A_140, %sub3A_141 : vector<8x1xf32>
    %add3A_143 = vector.broadcast %mul3A_142 : vector<8x1xf32> to vector<8x8732xf32>
    %add3A_144 = vector.broadcast %mul3A_24 : vector<1x8732xf32> to vector<8x8732xf32>
    %add3A_145 = arith.addf %add3A_143, %add3A_144 : vector<8x8732xf32>
    %sub3A_146 = arith.subf %add3A_145, %mul3A_139 : vector<8x8732xf32>
    %div3A_147 = arith.divf %mul3A_139, %sub3A_146 : vector<8x8732xf32>
    %reduce_max3A_148 = arith.constant dense<0xFF800000> : vector<8xf32>
    %reduce_max3A_149 = vector.multi_reduction <maximumf>, %div3A_147, %reduce_max3A_148 [1] : vector<8x8732xf32> to vector<8xf32>
    %broadcast_in_dim3A_150 = vector.shape_cast %reduce_max3A_149 : vector<8xf32> to vector<8x1xf32>
    %eq3A_151 = vector.broadcast %broadcast_in_dim3A_150 : vector<8x1xf32> to vector<8x8732xf32>
    %eq3A_152 = arith.cmpf oeq, %div3A_147, %eq3A_151 : vector<8x8732xf32>
    %jit3A_153 = arith.constant 8732 : i32
    %broadcast_in_dim3A_154 = vector.broadcast %jit3A_153 : i32 to vector<8x8732xi32>
    %select_n3A_155 = arith.select %eq3A_152, %iota3A, %broadcast_in_dim3A_154 : vector<8x8732xi1>, vector<8x8732xi32>
    %reduce_min3A_156 = arith.constant dense<2147483647> : vector<8xi32>
    %reduce_min3A_157 = vector.multi_reduction <minsi>, %select_n3A_155, %reduce_min3A_156 [1] : vector<8x8732xi32> to vector<8xi32>
    %broadcast_in_dim3A_158 = vector.shape_cast %reduce_min3A_157 : vector<8xi32> to vector<8x1xi32>
    %gt3A_159 = arith.cmpf ogt, %div3A_147, %select_n3A_113 : vector<8x8732xf32>
    %jit3A_160 = arith.constant 2 : i32
    %broadcast_in_dim3A_161 = vector.broadcast %jit3A_160 : i32 to vector<8x8732xi32>
    %select_n3A_162 = arith.select %gt3A_159, %broadcast_in_dim3A_161, %select_n3A_112 : vector<8x8732xi1>, vector<8x8732xi32>
    %select_n3A_163 = arith.select %gt3A_159, %div3A_147, %select_n3A_113 : vector<8x8732xi1>, vector<8x8732xf32>
    %slice3A_164 = vector.extract_strided_slice %get3A_27 {offsets = [0, 3], sizes = [8, 1], strides = [1, 1]} : vector<8x60xf32> to vector<8x1xf32>
    %slice3A_165 = vector.extract_strided_slice %get3A_27 {offsets = [0, 15], sizes = [8, 1], strides = [1, 1]} : vector<8x60xf32> to vector<8x1xf32>
    %slice3A_166 = vector.extract_strided_slice %get3A_27 {offsets = [0, 27], sizes = [8, 1], strides = [1, 1]} : vector<8x60xf32> to vector<8x1xf32>
    %slice3A_167 = vector.extract_strided_slice %get3A_27 {offsets = [0, 39], sizes = [8, 1], strides = [1, 1]} : vector<8x60xf32> to vector<8x1xf32>
    %slice3A_168 = vector.extract_strided_slice %get3A_27 {offsets = [0, 51], sizes = [8, 1], strides = [1, 1]} : vector<8x60xf32> to vector<8x1xf32>
    %min3A_169 = vector.broadcast %slice3A_166 : vector<8x1xf32> to vector<8x8732xf32>
    %min3A_170 = vector.broadcast %add3A : vector<1x8732xf32> to vector<8x8732xf32>
    %min3A_171 = arith.minimumf %min3A_169, %min3A_170 : vector<8x8732xf32>
    %max3A_172 = vector.broadcast %slice3A_164 : vector<8x1xf32> to vector<8x8732xf32>
    %max3A_173 = vector.broadcast %sub3A : vector<1x8732xf32> to vector<8x8732xf32>
    %max3A_174 = arith.maximumf %max3A_172, %max3A_173 : vector<8x8732xf32>
    %sub3A_175 = arith.subf %min3A_171, %max3A_174 : vector<8x8732xf32>
    %max3A_176 = arith.constant 0.000000e+00 : f32
    %max3A_177 = vector.broadcast %max3A_176 : f32 to vector<8x8732xf32>
    %max3A_178 = arith.maximumf %sub3A_175, %max3A_177 : vector<8x8732xf32>
    %min3A_179 = vector.broadcast %slice3A_167 : vector<8x1xf32> to vector<8x8732xf32>
    %min3A_180 = vector.broadcast %add3A_23 : vector<1x8732xf32> to vector<8x8732xf32>
    %min3A_181 = arith.minimumf %min3A_179, %min3A_180 : vector<8x8732xf32>
    %max3A_182 = vector.broadcast %slice3A_165 : vector<8x1xf32> to vector<8x8732xf32>
    %max3A_183 = vector.broadcast %sub3A_16 : vector<1x8732xf32> to vector<8x8732xf32>
    %max3A_184 = arith.maximumf %max3A_182, %max3A_183 : vector<8x8732xf32>
    %sub3A_185 = arith.subf %min3A_181, %max3A_184 : vector<8x8732xf32>
    %max3A_186 = arith.constant 0.000000e+00 : f32
    %max3A_187 = vector.broadcast %max3A_186 : f32 to vector<8x8732xf32>
    %max3A_188 = arith.maximumf %sub3A_185, %max3A_187 : vector<8x8732xf32>
    %mul3A_189 = arith.mulf %max3A_178, %max3A_188 : vector<8x8732xf32>
    %sub3A_190 = arith.subf %slice3A_166, %slice3A_164 : vector<8x1xf32>
    %sub3A_191 = arith.subf %slice3A_167, %slice3A_165 : vector<8x1xf32>
    %mul3A_192 = arith.mulf %sub3A_190, %sub3A_191 : vector<8x1xf32>
    %add3A_193 = vector.broadcast %mul3A_192 : vector<8x1xf32> to vector<8x8732xf32>
    %add3A_194 = vector.broadcast %mul3A_24 : vector<1x8732xf32> to vector<8x8732xf32>
    %add3A_195 = arith.addf %add3A_193, %add3A_194 : vector<8x8732xf32>
    %sub3A_196 = arith.subf %add3A_195, %mul3A_189 : vector<8x8732xf32>
    %div3A_197 = arith.divf %mul3A_189, %sub3A_196 : vector<8x8732xf32>
    %reduce_max3A_198 = arith.constant dense<0xFF800000> : vector<8xf32>
    %reduce_max3A_199 = vector.multi_reduction <maximumf>, %div3A_197, %reduce_max3A_198 [1] : vector<8x8732xf32> to vector<8xf32>
    %broadcast_in_dim3A_200 = vector.shape_cast %reduce_max3A_199 : vector<8xf32> to vector<8x1xf32>
    %eq3A_201 = vector.broadcast %broadcast_in_dim3A_200 : vector<8x1xf32> to vector<8x8732xf32>
    %eq3A_202 = arith.cmpf oeq, %div3A_197, %eq3A_201 : vector<8x8732xf32>
    %jit3A_203 = arith.constant 8732 : i32
    %broadcast_in_dim3A_204 = vector.broadcast %jit3A_203 : i32 to vector<8x8732xi32>
    %select_n3A_205 = arith.select %eq3A_202, %iota3A, %broadcast_in_dim3A_204 : vector<8x8732xi1>, vector<8x8732xi32>
    %reduce_min3A_206 = arith.constant dense<2147483647> : vector<8xi32>
    %reduce_min3A_207 = vector.multi_reduction <minsi>, %select_n3A_205, %reduce_min3A_206 [1] : vector<8x8732xi32> to vector<8xi32>
    %broadcast_in_dim3A_208 = vector.shape_cast %reduce_min3A_207 : vector<8xi32> to vector<8x1xi32>
    %gt3A_209 = arith.cmpf ogt, %div3A_197, %select_n3A_163 : vector<8x8732xf32>
    %jit3A_210 = arith.constant 3 : i32
    %broadcast_in_dim3A_211 = vector.broadcast %jit3A_210 : i32 to vector<8x8732xi32>
    %select_n3A_212 = arith.select %gt3A_209, %broadcast_in_dim3A_211, %select_n3A_162 : vector<8x8732xi1>, vector<8x8732xi32>
    %select_n3A_213 = arith.select %gt3A_209, %div3A_197, %select_n3A_163 : vector<8x8732xi1>, vector<8x8732xf32>
    %slice3A_214 = vector.extract_strided_slice %get3A_27 {offsets = [0, 4], sizes = [8, 1], strides = [1, 1]} : vector<8x60xf32> to vector<8x1xf32>
    %slice3A_215 = vector.extract_strided_slice %get3A_27 {offsets = [0, 16], sizes = [8, 1], strides = [1, 1]} : vector<8x60xf32> to vector<8x1xf32>
    %slice3A_216 = vector.extract_strided_slice %get3A_27 {offsets = [0, 28], sizes = [8, 1], strides = [1, 1]} : vector<8x60xf32> to vector<8x1xf32>
    %slice3A_217 = vector.extract_strided_slice %get3A_27 {offsets = [0, 40], sizes = [8, 1], strides = [1, 1]} : vector<8x60xf32> to vector<8x1xf32>
    %slice3A_218 = vector.extract_strided_slice %get3A_27 {offsets = [0, 52], sizes = [8, 1], strides = [1, 1]} : vector<8x60xf32> to vector<8x1xf32>
    %min3A_219 = vector.broadcast %slice3A_216 : vector<8x1xf32> to vector<8x8732xf32>
    %min3A_220 = vector.broadcast %add3A : vector<1x8732xf32> to vector<8x8732xf32>
    %min3A_221 = arith.minimumf %min3A_219, %min3A_220 : vector<8x8732xf32>
    %max3A_222 = vector.broadcast %slice3A_214 : vector<8x1xf32> to vector<8x8732xf32>
    %max3A_223 = vector.broadcast %sub3A : vector<1x8732xf32> to vector<8x8732xf32>
    %max3A_224 = arith.maximumf %max3A_222, %max3A_223 : vector<8x8732xf32>
    %sub3A_225 = arith.subf %min3A_221, %max3A_224 : vector<8x8732xf32>
    %max3A_226 = arith.constant 0.000000e+00 : f32
    %max3A_227 = vector.broadcast %max3A_226 : f32 to vector<8x8732xf32>
    %max3A_228 = arith.maximumf %sub3A_225, %max3A_227 : vector<8x8732xf32>
    %min3A_229 = vector.broadcast %slice3A_217 : vector<8x1xf32> to vector<8x8732xf32>
    %min3A_230 = vector.broadcast %add3A_23 : vector<1x8732xf32> to vector<8x8732xf32>
    %min3A_231 = arith.minimumf %min3A_229, %min3A_230 : vector<8x8732xf32>
    %max3A_232 = vector.broadcast %slice3A_215 : vector<8x1xf32> to vector<8x8732xf32>
    %max3A_233 = vector.broadcast %sub3A_16 : vector<1x8732xf32> to vector<8x8732xf32>
    %max3A_234 = arith.maximumf %max3A_232, %max3A_233 : vector<8x8732xf32>
    %sub3A_235 = arith.subf %min3A_231, %max3A_234 : vector<8x8732xf32>
    %max3A_236 = arith.constant 0.000000e+00 : f32
    %max3A_237 = vector.broadcast %max3A_236 : f32 to vector<8x8732xf32>
    %max3A_238 = arith.maximumf %sub3A_235, %max3A_237 : vector<8x8732xf32>
    %mul3A_239 = arith.mulf %max3A_228, %max3A_238 : vector<8x8732xf32>
    %sub3A_240 = arith.subf %slice3A_216, %slice3A_214 : vector<8x1xf32>
    %sub3A_241 = arith.subf %slice3A_217, %slice3A_215 : vector<8x1xf32>
    %mul3A_242 = arith.mulf %sub3A_240, %sub3A_241 : vector<8x1xf32>
    %add3A_243 = vector.broadcast %mul3A_242 : vector<8x1xf32> to vector<8x8732xf32>
    %add3A_244 = vector.broadcast %mul3A_24 : vector<1x8732xf32> to vector<8x8732xf32>
    %add3A_245 = arith.addf %add3A_243, %add3A_244 : vector<8x8732xf32>
    %sub3A_246 = arith.subf %add3A_245, %mul3A_239 : vector<8x8732xf32>
    %div3A_247 = arith.divf %mul3A_239, %sub3A_246 : vector<8x8732xf32>
    %reduce_max3A_248 = arith.constant dense<0xFF800000> : vector<8xf32>
    %reduce_max3A_249 = vector.multi_reduction <maximumf>, %div3A_247, %reduce_max3A_248 [1] : vector<8x8732xf32> to vector<8xf32>
    %broadcast_in_dim3A_250 = vector.shape_cast %reduce_max3A_249 : vector<8xf32> to vector<8x1xf32>
    %eq3A_251 = vector.broadcast %broadcast_in_dim3A_250 : vector<8x1xf32> to vector<8x8732xf32>
    %eq3A_252 = arith.cmpf oeq, %div3A_247, %eq3A_251 : vector<8x8732xf32>
    %jit3A_253 = arith.constant 8732 : i32
    %broadcast_in_dim3A_254 = vector.broadcast %jit3A_253 : i32 to vector<8x8732xi32>
    %select_n3A_255 = arith.select %eq3A_252, %iota3A, %broadcast_in_dim3A_254 : vector<8x8732xi1>, vector<8x8732xi32>
    %reduce_min3A_256 = arith.constant dense<2147483647> : vector<8xi32>
    %reduce_min3A_257 = vector.multi_reduction <minsi>, %select_n3A_255, %reduce_min3A_256 [1] : vector<8x8732xi32> to vector<8xi32>
    %broadcast_in_dim3A_258 = vector.shape_cast %reduce_min3A_257 : vector<8xi32> to vector<8x1xi32>
    %gt3A_259 = arith.cmpf ogt, %div3A_247, %select_n3A_213 : vector<8x8732xf32>
    %jit3A_260 = arith.constant 4 : i32
    %broadcast_in_dim3A_261 = vector.broadcast %jit3A_260 : i32 to vector<8x8732xi32>
    %select_n3A_262 = arith.select %gt3A_259, %broadcast_in_dim3A_261, %select_n3A_212 : vector<8x8732xi1>, vector<8x8732xi32>
    %select_n3A_263 = arith.select %gt3A_259, %div3A_247, %select_n3A_213 : vector<8x8732xi1>, vector<8x8732xf32>
    %slice3A_264 = vector.extract_strided_slice %get3A_27 {offsets = [0, 5], sizes = [8, 1], strides = [1, 1]} : vector<8x60xf32> to vector<8x1xf32>
    %slice3A_265 = vector.extract_strided_slice %get3A_27 {offsets = [0, 17], sizes = [8, 1], strides = [1, 1]} : vector<8x60xf32> to vector<8x1xf32>
    %slice3A_266 = vector.extract_strided_slice %get3A_27 {offsets = [0, 29], sizes = [8, 1], strides = [1, 1]} : vector<8x60xf32> to vector<8x1xf32>
    %slice3A_267 = vector.extract_strided_slice %get3A_27 {offsets = [0, 41], sizes = [8, 1], strides = [1, 1]} : vector<8x60xf32> to vector<8x1xf32>
    %slice3A_268 = vector.extract_strided_slice %get3A_27 {offsets = [0, 53], sizes = [8, 1], strides = [1, 1]} : vector<8x60xf32> to vector<8x1xf32>
    %min3A_269 = vector.broadcast %slice3A_266 : vector<8x1xf32> to vector<8x8732xf32>
    %min3A_270 = vector.broadcast %add3A : vector<1x8732xf32> to vector<8x8732xf32>
    %min3A_271 = arith.minimumf %min3A_269, %min3A_270 : vector<8x8732xf32>
    %max3A_272 = vector.broadcast %slice3A_264 : vector<8x1xf32> to vector<8x8732xf32>
    %max3A_273 = vector.broadcast %sub3A : vector<1x8732xf32> to vector<8x8732xf32>
    %max3A_274 = arith.maximumf %max3A_272, %max3A_273 : vector<8x8732xf32>
    %sub3A_275 = arith.subf %min3A_271, %max3A_274 : vector<8x8732xf32>
    %max3A_276 = arith.constant 0.000000e+00 : f32
    %max3A_277 = vector.broadcast %max3A_276 : f32 to vector<8x8732xf32>
    %max3A_278 = arith.maximumf %sub3A_275, %max3A_277 : vector<8x8732xf32>
    %min3A_279 = vector.broadcast %slice3A_267 : vector<8x1xf32> to vector<8x8732xf32>
    %min3A_280 = vector.broadcast %add3A_23 : vector<1x8732xf32> to vector<8x8732xf32>
    %min3A_281 = arith.minimumf %min3A_279, %min3A_280 : vector<8x8732xf32>
    %max3A_282 = vector.broadcast %slice3A_265 : vector<8x1xf32> to vector<8x8732xf32>
    %max3A_283 = vector.broadcast %sub3A_16 : vector<1x8732xf32> to vector<8x8732xf32>
    %max3A_284 = arith.maximumf %max3A_282, %max3A_283 : vector<8x8732xf32>
    %sub3A_285 = arith.subf %min3A_281, %max3A_284 : vector<8x8732xf32>
    %max3A_286 = arith.constant 0.000000e+00 : f32
    %max3A_287 = vector.broadcast %max3A_286 : f32 to vector<8x8732xf32>
    %max3A_288 = arith.maximumf %sub3A_285, %max3A_287 : vector<8x8732xf32>
    %mul3A_289 = arith.mulf %max3A_278, %max3A_288 : vector<8x8732xf32>
    %sub3A_290 = arith.subf %slice3A_266, %slice3A_264 : vector<8x1xf32>
    %sub3A_291 = arith.subf %slice3A_267, %slice3A_265 : vector<8x1xf32>
    %mul3A_292 = arith.mulf %sub3A_290, %sub3A_291 : vector<8x1xf32>
    %add3A_293 = vector.broadcast %mul3A_292 : vector<8x1xf32> to vector<8x8732xf32>
    %add3A_294 = vector.broadcast %mul3A_24 : vector<1x8732xf32> to vector<8x8732xf32>
    %add3A_295 = arith.addf %add3A_293, %add3A_294 : vector<8x8732xf32>
    %sub3A_296 = arith.subf %add3A_295, %mul3A_289 : vector<8x8732xf32>
    %div3A_297 = arith.divf %mul3A_289, %sub3A_296 : vector<8x8732xf32>
    %reduce_max3A_298 = arith.constant dense<0xFF800000> : vector<8xf32>
    %reduce_max3A_299 = vector.multi_reduction <maximumf>, %div3A_297, %reduce_max3A_298 [1] : vector<8x8732xf32> to vector<8xf32>
    %broadcast_in_dim3A_300 = vector.shape_cast %reduce_max3A_299 : vector<8xf32> to vector<8x1xf32>
    %eq3A_301 = vector.broadcast %broadcast_in_dim3A_300 : vector<8x1xf32> to vector<8x8732xf32>
    %eq3A_302 = arith.cmpf oeq, %div3A_297, %eq3A_301 : vector<8x8732xf32>
    %jit3A_303 = arith.constant 8732 : i32
    %broadcast_in_dim3A_304 = vector.broadcast %jit3A_303 : i32 to vector<8x8732xi32>
    %select_n3A_305 = arith.select %eq3A_302, %iota3A, %broadcast_in_dim3A_304 : vector<8x8732xi1>, vector<8x8732xi32>
    %reduce_min3A_306 = arith.constant dense<2147483647> : vector<8xi32>
    %reduce_min3A_307 = vector.multi_reduction <minsi>, %select_n3A_305, %reduce_min3A_306 [1] : vector<8x8732xi32> to vector<8xi32>
    %broadcast_in_dim3A_308 = vector.shape_cast %reduce_min3A_307 : vector<8xi32> to vector<8x1xi32>
    %gt3A_309 = arith.cmpf ogt, %div3A_297, %select_n3A_263 : vector<8x8732xf32>
    %jit3A_310 = arith.constant 5 : i32
    %broadcast_in_dim3A_311 = vector.broadcast %jit3A_310 : i32 to vector<8x8732xi32>
    %select_n3A_312 = arith.select %gt3A_309, %broadcast_in_dim3A_311, %select_n3A_262 : vector<8x8732xi1>, vector<8x8732xi32>
    %select_n3A_313 = arith.select %gt3A_309, %div3A_297, %select_n3A_263 : vector<8x8732xi1>, vector<8x8732xf32>
    %slice3A_314 = vector.extract_strided_slice %get3A_27 {offsets = [0, 6], sizes = [8, 1], strides = [1, 1]} : vector<8x60xf32> to vector<8x1xf32>
    %slice3A_315 = vector.extract_strided_slice %get3A_27 {offsets = [0, 18], sizes = [8, 1], strides = [1, 1]} : vector<8x60xf32> to vector<8x1xf32>
    %slice3A_316 = vector.extract_strided_slice %get3A_27 {offsets = [0, 30], sizes = [8, 1], strides = [1, 1]} : vector<8x60xf32> to vector<8x1xf32>
    %slice3A_317 = vector.extract_strided_slice %get3A_27 {offsets = [0, 42], sizes = [8, 1], strides = [1, 1]} : vector<8x60xf32> to vector<8x1xf32>
    %slice3A_318 = vector.extract_strided_slice %get3A_27 {offsets = [0, 54], sizes = [8, 1], strides = [1, 1]} : vector<8x60xf32> to vector<8x1xf32>
    %min3A_319 = vector.broadcast %slice3A_316 : vector<8x1xf32> to vector<8x8732xf32>
    %min3A_320 = vector.broadcast %add3A : vector<1x8732xf32> to vector<8x8732xf32>
    %min3A_321 = arith.minimumf %min3A_319, %min3A_320 : vector<8x8732xf32>
    %max3A_322 = vector.broadcast %slice3A_314 : vector<8x1xf32> to vector<8x8732xf32>
    %max3A_323 = vector.broadcast %sub3A : vector<1x8732xf32> to vector<8x8732xf32>
    %max3A_324 = arith.maximumf %max3A_322, %max3A_323 : vector<8x8732xf32>
    %sub3A_325 = arith.subf %min3A_321, %max3A_324 : vector<8x8732xf32>
    %max3A_326 = arith.constant 0.000000e+00 : f32
    %max3A_327 = vector.broadcast %max3A_326 : f32 to vector<8x8732xf32>
    %max3A_328 = arith.maximumf %sub3A_325, %max3A_327 : vector<8x8732xf32>
    %min3A_329 = vector.broadcast %slice3A_317 : vector<8x1xf32> to vector<8x8732xf32>
    %min3A_330 = vector.broadcast %add3A_23 : vector<1x8732xf32> to vector<8x8732xf32>
    %min3A_331 = arith.minimumf %min3A_329, %min3A_330 : vector<8x8732xf32>
    %max3A_332 = vector.broadcast %slice3A_315 : vector<8x1xf32> to vector<8x8732xf32>
    %max3A_333 = vector.broadcast %sub3A_16 : vector<1x8732xf32> to vector<8x8732xf32>
    %max3A_334 = arith.maximumf %max3A_332, %max3A_333 : vector<8x8732xf32>
    %sub3A_335 = arith.subf %min3A_331, %max3A_334 : vector<8x8732xf32>
    %max3A_336 = arith.constant 0.000000e+00 : f32
    %max3A_337 = vector.broadcast %max3A_336 : f32 to vector<8x8732xf32>
    %max3A_338 = arith.maximumf %sub3A_335, %max3A_337 : vector<8x8732xf32>
    %mul3A_339 = arith.mulf %max3A_328, %max3A_338 : vector<8x8732xf32>
    %sub3A_340 = arith.subf %slice3A_316, %slice3A_314 : vector<8x1xf32>
    %sub3A_341 = arith.subf %slice3A_317, %slice3A_315 : vector<8x1xf32>
    %mul3A_342 = arith.mulf %sub3A_340, %sub3A_341 : vector<8x1xf32>
    %add3A_343 = vector.broadcast %mul3A_342 : vector<8x1xf32> to vector<8x8732xf32>
    %add3A_344 = vector.broadcast %mul3A_24 : vector<1x8732xf32> to vector<8x8732xf32>
    %add3A_345 = arith.addf %add3A_343, %add3A_344 : vector<8x8732xf32>
    %sub3A_346 = arith.subf %add3A_345, %mul3A_339 : vector<8x8732xf32>
    %div3A_347 = arith.divf %mul3A_339, %sub3A_346 : vector<8x8732xf32>
    %reduce_max3A_348 = arith.constant dense<0xFF800000> : vector<8xf32>
    %reduce_max3A_349 = vector.multi_reduction <maximumf>, %div3A_347, %reduce_max3A_348 [1] : vector<8x8732xf32> to vector<8xf32>
    %broadcast_in_dim3A_350 = vector.shape_cast %reduce_max3A_349 : vector<8xf32> to vector<8x1xf32>
    %eq3A_351 = vector.broadcast %broadcast_in_dim3A_350 : vector<8x1xf32> to vector<8x8732xf32>
    %eq3A_352 = arith.cmpf oeq, %div3A_347, %eq3A_351 : vector<8x8732xf32>
    %jit3A_353 = arith.constant 8732 : i32
    %broadcast_in_dim3A_354 = vector.broadcast %jit3A_353 : i32 to vector<8x8732xi32>
    %select_n3A_355 = arith.select %eq3A_352, %iota3A, %broadcast_in_dim3A_354 : vector<8x8732xi1>, vector<8x8732xi32>
    %reduce_min3A_356 = arith.constant dense<2147483647> : vector<8xi32>
    %reduce_min3A_357 = vector.multi_reduction <minsi>, %select_n3A_355, %reduce_min3A_356 [1] : vector<8x8732xi32> to vector<8xi32>
    %broadcast_in_dim3A_358 = vector.shape_cast %reduce_min3A_357 : vector<8xi32> to vector<8x1xi32>
    %gt3A_359 = arith.cmpf ogt, %div3A_347, %select_n3A_313 : vector<8x8732xf32>
    %jit3A_360 = arith.constant 6 : i32
    %broadcast_in_dim3A_361 = vector.broadcast %jit3A_360 : i32 to vector<8x8732xi32>
    %select_n3A_362 = arith.select %gt3A_359, %broadcast_in_dim3A_361, %select_n3A_312 : vector<8x8732xi1>, vector<8x8732xi32>
    %select_n3A_363 = arith.select %gt3A_359, %div3A_347, %select_n3A_313 : vector<8x8732xi1>, vector<8x8732xf32>
    %slice3A_364 = vector.extract_strided_slice %get3A_27 {offsets = [0, 7], sizes = [8, 1], strides = [1, 1]} : vector<8x60xf32> to vector<8x1xf32>
    %slice3A_365 = vector.extract_strided_slice %get3A_27 {offsets = [0, 19], sizes = [8, 1], strides = [1, 1]} : vector<8x60xf32> to vector<8x1xf32>
    %slice3A_366 = vector.extract_strided_slice %get3A_27 {offsets = [0, 31], sizes = [8, 1], strides = [1, 1]} : vector<8x60xf32> to vector<8x1xf32>
    %slice3A_367 = vector.extract_strided_slice %get3A_27 {offsets = [0, 43], sizes = [8, 1], strides = [1, 1]} : vector<8x60xf32> to vector<8x1xf32>
    %slice3A_368 = vector.extract_strided_slice %get3A_27 {offsets = [0, 55], sizes = [8, 1], strides = [1, 1]} : vector<8x60xf32> to vector<8x1xf32>
    %min3A_369 = vector.broadcast %slice3A_366 : vector<8x1xf32> to vector<8x8732xf32>
    %min3A_370 = vector.broadcast %add3A : vector<1x8732xf32> to vector<8x8732xf32>
    %min3A_371 = arith.minimumf %min3A_369, %min3A_370 : vector<8x8732xf32>
    %max3A_372 = vector.broadcast %slice3A_364 : vector<8x1xf32> to vector<8x8732xf32>
    %max3A_373 = vector.broadcast %sub3A : vector<1x8732xf32> to vector<8x8732xf32>
    %max3A_374 = arith.maximumf %max3A_372, %max3A_373 : vector<8x8732xf32>
    %sub3A_375 = arith.subf %min3A_371, %max3A_374 : vector<8x8732xf32>
    %max3A_376 = arith.constant 0.000000e+00 : f32
    %max3A_377 = vector.broadcast %max3A_376 : f32 to vector<8x8732xf32>
    %max3A_378 = arith.maximumf %sub3A_375, %max3A_377 : vector<8x8732xf32>
    %min3A_379 = vector.broadcast %slice3A_367 : vector<8x1xf32> to vector<8x8732xf32>
    %min3A_380 = vector.broadcast %add3A_23 : vector<1x8732xf32> to vector<8x8732xf32>
    %min3A_381 = arith.minimumf %min3A_379, %min3A_380 : vector<8x8732xf32>
    %max3A_382 = vector.broadcast %slice3A_365 : vector<8x1xf32> to vector<8x8732xf32>
    %max3A_383 = vector.broadcast %sub3A_16 : vector<1x8732xf32> to vector<8x8732xf32>
    %max3A_384 = arith.maximumf %max3A_382, %max3A_383 : vector<8x8732xf32>
    %sub3A_385 = arith.subf %min3A_381, %max3A_384 : vector<8x8732xf32>
    %max3A_386 = arith.constant 0.000000e+00 : f32
    %max3A_387 = vector.broadcast %max3A_386 : f32 to vector<8x8732xf32>
    %max3A_388 = arith.maximumf %sub3A_385, %max3A_387 : vector<8x8732xf32>
    %mul3A_389 = arith.mulf %max3A_378, %max3A_388 : vector<8x8732xf32>
    %sub3A_390 = arith.subf %slice3A_366, %slice3A_364 : vector<8x1xf32>
    %sub3A_391 = arith.subf %slice3A_367, %slice3A_365 : vector<8x1xf32>
    %mul3A_392 = arith.mulf %sub3A_390, %sub3A_391 : vector<8x1xf32>
    %add3A_393 = vector.broadcast %mul3A_392 : vector<8x1xf32> to vector<8x8732xf32>
    %add3A_394 = vector.broadcast %mul3A_24 : vector<1x8732xf32> to vector<8x8732xf32>
    %add3A_395 = arith.addf %add3A_393, %add3A_394 : vector<8x8732xf32>
    %sub3A_396 = arith.subf %add3A_395, %mul3A_389 : vector<8x8732xf32>
    %div3A_397 = arith.divf %mul3A_389, %sub3A_396 : vector<8x8732xf32>
    %reduce_max3A_398 = arith.constant dense<0xFF800000> : vector<8xf32>
    %reduce_max3A_399 = vector.multi_reduction <maximumf>, %div3A_397, %reduce_max3A_398 [1] : vector<8x8732xf32> to vector<8xf32>
    %broadcast_in_dim3A_400 = vector.shape_cast %reduce_max3A_399 : vector<8xf32> to vector<8x1xf32>
    %eq3A_401 = vector.broadcast %broadcast_in_dim3A_400 : vector<8x1xf32> to vector<8x8732xf32>
    %eq3A_402 = arith.cmpf oeq, %div3A_397, %eq3A_401 : vector<8x8732xf32>
    %jit3A_403 = arith.constant 8732 : i32
    %broadcast_in_dim3A_404 = vector.broadcast %jit3A_403 : i32 to vector<8x8732xi32>
    %select_n3A_405 = arith.select %eq3A_402, %iota3A, %broadcast_in_dim3A_404 : vector<8x8732xi1>, vector<8x8732xi32>
    %reduce_min3A_406 = arith.constant dense<2147483647> : vector<8xi32>
    %reduce_min3A_407 = vector.multi_reduction <minsi>, %select_n3A_405, %reduce_min3A_406 [1] : vector<8x8732xi32> to vector<8xi32>
    %broadcast_in_dim3A_408 = vector.shape_cast %reduce_min3A_407 : vector<8xi32> to vector<8x1xi32>
    %gt3A_409 = arith.cmpf ogt, %div3A_397, %select_n3A_363 : vector<8x8732xf32>
    %jit3A_410 = arith.constant 7 : i32
    %broadcast_in_dim3A_411 = vector.broadcast %jit3A_410 : i32 to vector<8x8732xi32>
    %select_n3A_412 = arith.select %gt3A_409, %broadcast_in_dim3A_411, %select_n3A_362 : vector<8x8732xi1>, vector<8x8732xi32>
    %select_n3A_413 = arith.select %gt3A_409, %div3A_397, %select_n3A_363 : vector<8x8732xi1>, vector<8x8732xf32>
    %slice3A_414 = vector.extract_strided_slice %get3A_27 {offsets = [0, 8], sizes = [8, 1], strides = [1, 1]} : vector<8x60xf32> to vector<8x1xf32>
    %slice3A_415 = vector.extract_strided_slice %get3A_27 {offsets = [0, 20], sizes = [8, 1], strides = [1, 1]} : vector<8x60xf32> to vector<8x1xf32>
    %slice3A_416 = vector.extract_strided_slice %get3A_27 {offsets = [0, 32], sizes = [8, 1], strides = [1, 1]} : vector<8x60xf32> to vector<8x1xf32>
    %slice3A_417 = vector.extract_strided_slice %get3A_27 {offsets = [0, 44], sizes = [8, 1], strides = [1, 1]} : vector<8x60xf32> to vector<8x1xf32>
    %slice3A_418 = vector.extract_strided_slice %get3A_27 {offsets = [0, 56], sizes = [8, 1], strides = [1, 1]} : vector<8x60xf32> to vector<8x1xf32>
    %min3A_419 = vector.broadcast %slice3A_416 : vector<8x1xf32> to vector<8x8732xf32>
    %min3A_420 = vector.broadcast %add3A : vector<1x8732xf32> to vector<8x8732xf32>
    %min3A_421 = arith.minimumf %min3A_419, %min3A_420 : vector<8x8732xf32>
    %max3A_422 = vector.broadcast %slice3A_414 : vector<8x1xf32> to vector<8x8732xf32>
    %max3A_423 = vector.broadcast %sub3A : vector<1x8732xf32> to vector<8x8732xf32>
    %max3A_424 = arith.maximumf %max3A_422, %max3A_423 : vector<8x8732xf32>
    %sub3A_425 = arith.subf %min3A_421, %max3A_424 : vector<8x8732xf32>
    %max3A_426 = arith.constant 0.000000e+00 : f32
    %max3A_427 = vector.broadcast %max3A_426 : f32 to vector<8x8732xf32>
    %max3A_428 = arith.maximumf %sub3A_425, %max3A_427 : vector<8x8732xf32>
    %min3A_429 = vector.broadcast %slice3A_417 : vector<8x1xf32> to vector<8x8732xf32>
    %min3A_430 = vector.broadcast %add3A_23 : vector<1x8732xf32> to vector<8x8732xf32>
    %min3A_431 = arith.minimumf %min3A_429, %min3A_430 : vector<8x8732xf32>
    %max3A_432 = vector.broadcast %slice3A_415 : vector<8x1xf32> to vector<8x8732xf32>
    %max3A_433 = vector.broadcast %sub3A_16 : vector<1x8732xf32> to vector<8x8732xf32>
    %max3A_434 = arith.maximumf %max3A_432, %max3A_433 : vector<8x8732xf32>
    %sub3A_435 = arith.subf %min3A_431, %max3A_434 : vector<8x8732xf32>
    %max3A_436 = arith.constant 0.000000e+00 : f32
    %max3A_437 = vector.broadcast %max3A_436 : f32 to vector<8x8732xf32>
    %max3A_438 = arith.maximumf %sub3A_435, %max3A_437 : vector<8x8732xf32>
    %mul3A_439 = arith.mulf %max3A_428, %max3A_438 : vector<8x8732xf32>
    %sub3A_440 = arith.subf %slice3A_416, %slice3A_414 : vector<8x1xf32>
    %sub3A_441 = arith.subf %slice3A_417, %slice3A_415 : vector<8x1xf32>
    %mul3A_442 = arith.mulf %sub3A_440, %sub3A_441 : vector<8x1xf32>
    %add3A_443 = vector.broadcast %mul3A_442 : vector<8x1xf32> to vector<8x8732xf32>
    %add3A_444 = vector.broadcast %mul3A_24 : vector<1x8732xf32> to vector<8x8732xf32>
    %add3A_445 = arith.addf %add3A_443, %add3A_444 : vector<8x8732xf32>
    %sub3A_446 = arith.subf %add3A_445, %mul3A_439 : vector<8x8732xf32>
    %div3A_447 = arith.divf %mul3A_439, %sub3A_446 : vector<8x8732xf32>
    %reduce_max3A_448 = arith.constant dense<0xFF800000> : vector<8xf32>
    %reduce_max3A_449 = vector.multi_reduction <maximumf>, %div3A_447, %reduce_max3A_448 [1] : vector<8x8732xf32> to vector<8xf32>
    %broadcast_in_dim3A_450 = vector.shape_cast %reduce_max3A_449 : vector<8xf32> to vector<8x1xf32>
    %eq3A_451 = vector.broadcast %broadcast_in_dim3A_450 : vector<8x1xf32> to vector<8x8732xf32>
    %eq3A_452 = arith.cmpf oeq, %div3A_447, %eq3A_451 : vector<8x8732xf32>
    %jit3A_453 = arith.constant 8732 : i32
    %broadcast_in_dim3A_454 = vector.broadcast %jit3A_453 : i32 to vector<8x8732xi32>
    %select_n3A_455 = arith.select %eq3A_452, %iota3A, %broadcast_in_dim3A_454 : vector<8x8732xi1>, vector<8x8732xi32>
    %reduce_min3A_456 = arith.constant dense<2147483647> : vector<8xi32>
    %reduce_min3A_457 = vector.multi_reduction <minsi>, %select_n3A_455, %reduce_min3A_456 [1] : vector<8x8732xi32> to vector<8xi32>
    %broadcast_in_dim3A_458 = vector.shape_cast %reduce_min3A_457 : vector<8xi32> to vector<8x1xi32>
    %gt3A_459 = arith.cmpf ogt, %div3A_447, %select_n3A_413 : vector<8x8732xf32>
    %jit3A_460 = arith.constant 8 : i32
    %broadcast_in_dim3A_461 = vector.broadcast %jit3A_460 : i32 to vector<8x8732xi32>
    %select_n3A_462 = arith.select %gt3A_459, %broadcast_in_dim3A_461, %select_n3A_412 : vector<8x8732xi1>, vector<8x8732xi32>
    %select_n3A_463 = arith.select %gt3A_459, %div3A_447, %select_n3A_413 : vector<8x8732xi1>, vector<8x8732xf32>
    %slice3A_464 = vector.extract_strided_slice %get3A_27 {offsets = [0, 9], sizes = [8, 1], strides = [1, 1]} : vector<8x60xf32> to vector<8x1xf32>
    %slice3A_465 = vector.extract_strided_slice %get3A_27 {offsets = [0, 21], sizes = [8, 1], strides = [1, 1]} : vector<8x60xf32> to vector<8x1xf32>
    %slice3A_466 = vector.extract_strided_slice %get3A_27 {offsets = [0, 33], sizes = [8, 1], strides = [1, 1]} : vector<8x60xf32> to vector<8x1xf32>
    %slice3A_467 = vector.extract_strided_slice %get3A_27 {offsets = [0, 45], sizes = [8, 1], strides = [1, 1]} : vector<8x60xf32> to vector<8x1xf32>
    %slice3A_468 = vector.extract_strided_slice %get3A_27 {offsets = [0, 57], sizes = [8, 1], strides = [1, 1]} : vector<8x60xf32> to vector<8x1xf32>
    %min3A_469 = vector.broadcast %slice3A_466 : vector<8x1xf32> to vector<8x8732xf32>
    %min3A_470 = vector.broadcast %add3A : vector<1x8732xf32> to vector<8x8732xf32>
    %min3A_471 = arith.minimumf %min3A_469, %min3A_470 : vector<8x8732xf32>
    %max3A_472 = vector.broadcast %slice3A_464 : vector<8x1xf32> to vector<8x8732xf32>
    %max3A_473 = vector.broadcast %sub3A : vector<1x8732xf32> to vector<8x8732xf32>
    %max3A_474 = arith.maximumf %max3A_472, %max3A_473 : vector<8x8732xf32>
    %sub3A_475 = arith.subf %min3A_471, %max3A_474 : vector<8x8732xf32>
    %max3A_476 = arith.constant 0.000000e+00 : f32
    %max3A_477 = vector.broadcast %max3A_476 : f32 to vector<8x8732xf32>
    %max3A_478 = arith.maximumf %sub3A_475, %max3A_477 : vector<8x8732xf32>
    %min3A_479 = vector.broadcast %slice3A_467 : vector<8x1xf32> to vector<8x8732xf32>
    %min3A_480 = vector.broadcast %add3A_23 : vector<1x8732xf32> to vector<8x8732xf32>
    %min3A_481 = arith.minimumf %min3A_479, %min3A_480 : vector<8x8732xf32>
    %max3A_482 = vector.broadcast %slice3A_465 : vector<8x1xf32> to vector<8x8732xf32>
    %max3A_483 = vector.broadcast %sub3A_16 : vector<1x8732xf32> to vector<8x8732xf32>
    %max3A_484 = arith.maximumf %max3A_482, %max3A_483 : vector<8x8732xf32>
    %sub3A_485 = arith.subf %min3A_481, %max3A_484 : vector<8x8732xf32>
    %max3A_486 = arith.constant 0.000000e+00 : f32
    %max3A_487 = vector.broadcast %max3A_486 : f32 to vector<8x8732xf32>
    %max3A_488 = arith.maximumf %sub3A_485, %max3A_487 : vector<8x8732xf32>
    %mul3A_489 = arith.mulf %max3A_478, %max3A_488 : vector<8x8732xf32>
    %sub3A_490 = arith.subf %slice3A_466, %slice3A_464 : vector<8x1xf32>
    %sub3A_491 = arith.subf %slice3A_467, %slice3A_465 : vector<8x1xf32>
    %mul3A_492 = arith.mulf %sub3A_490, %sub3A_491 : vector<8x1xf32>
    %add3A_493 = vector.broadcast %mul3A_492 : vector<8x1xf32> to vector<8x8732xf32>
    %add3A_494 = vector.broadcast %mul3A_24 : vector<1x8732xf32> to vector<8x8732xf32>
    %add3A_495 = arith.addf %add3A_493, %add3A_494 : vector<8x8732xf32>
    %sub3A_496 = arith.subf %add3A_495, %mul3A_489 : vector<8x8732xf32>
    %div3A_497 = arith.divf %mul3A_489, %sub3A_496 : vector<8x8732xf32>
    %reduce_max3A_498 = arith.constant dense<0xFF800000> : vector<8xf32>
    %reduce_max3A_499 = vector.multi_reduction <maximumf>, %div3A_497, %reduce_max3A_498 [1] : vector<8x8732xf32> to vector<8xf32>
    %broadcast_in_dim3A_500 = vector.shape_cast %reduce_max3A_499 : vector<8xf32> to vector<8x1xf32>
    %eq3A_501 = vector.broadcast %broadcast_in_dim3A_500 : vector<8x1xf32> to vector<8x8732xf32>
    %eq3A_502 = arith.cmpf oeq, %div3A_497, %eq3A_501 : vector<8x8732xf32>
    %jit3A_503 = arith.constant 8732 : i32
    %broadcast_in_dim3A_504 = vector.broadcast %jit3A_503 : i32 to vector<8x8732xi32>
    %select_n3A_505 = arith.select %eq3A_502, %iota3A, %broadcast_in_dim3A_504 : vector<8x8732xi1>, vector<8x8732xi32>
    %reduce_min3A_506 = arith.constant dense<2147483647> : vector<8xi32>
    %reduce_min3A_507 = vector.multi_reduction <minsi>, %select_n3A_505, %reduce_min3A_506 [1] : vector<8x8732xi32> to vector<8xi32>
    %broadcast_in_dim3A_508 = vector.shape_cast %reduce_min3A_507 : vector<8xi32> to vector<8x1xi32>
    %gt3A_509 = arith.cmpf ogt, %div3A_497, %select_n3A_463 : vector<8x8732xf32>
    %jit3A_510 = arith.constant 9 : i32
    %broadcast_in_dim3A_511 = vector.broadcast %jit3A_510 : i32 to vector<8x8732xi32>
    %select_n3A_512 = arith.select %gt3A_509, %broadcast_in_dim3A_511, %select_n3A_462 : vector<8x8732xi1>, vector<8x8732xi32>
    %select_n3A_513 = arith.select %gt3A_509, %div3A_497, %select_n3A_463 : vector<8x8732xi1>, vector<8x8732xf32>
    %slice3A_514 = vector.extract_strided_slice %get3A_27 {offsets = [0, 10], sizes = [8, 1], strides = [1, 1]} : vector<8x60xf32> to vector<8x1xf32>
    %slice3A_515 = vector.extract_strided_slice %get3A_27 {offsets = [0, 22], sizes = [8, 1], strides = [1, 1]} : vector<8x60xf32> to vector<8x1xf32>
    %slice3A_516 = vector.extract_strided_slice %get3A_27 {offsets = [0, 34], sizes = [8, 1], strides = [1, 1]} : vector<8x60xf32> to vector<8x1xf32>
    %slice3A_517 = vector.extract_strided_slice %get3A_27 {offsets = [0, 46], sizes = [8, 1], strides = [1, 1]} : vector<8x60xf32> to vector<8x1xf32>
    %slice3A_518 = vector.extract_strided_slice %get3A_27 {offsets = [0, 58], sizes = [8, 1], strides = [1, 1]} : vector<8x60xf32> to vector<8x1xf32>
    %min3A_519 = vector.broadcast %slice3A_516 : vector<8x1xf32> to vector<8x8732xf32>
    %min3A_520 = vector.broadcast %add3A : vector<1x8732xf32> to vector<8x8732xf32>
    %min3A_521 = arith.minimumf %min3A_519, %min3A_520 : vector<8x8732xf32>
    %max3A_522 = vector.broadcast %slice3A_514 : vector<8x1xf32> to vector<8x8732xf32>
    %max3A_523 = vector.broadcast %sub3A : vector<1x8732xf32> to vector<8x8732xf32>
    %max3A_524 = arith.maximumf %max3A_522, %max3A_523 : vector<8x8732xf32>
    %sub3A_525 = arith.subf %min3A_521, %max3A_524 : vector<8x8732xf32>
    %max3A_526 = arith.constant 0.000000e+00 : f32
    %max3A_527 = vector.broadcast %max3A_526 : f32 to vector<8x8732xf32>
    %max3A_528 = arith.maximumf %sub3A_525, %max3A_527 : vector<8x8732xf32>
    %min3A_529 = vector.broadcast %slice3A_517 : vector<8x1xf32> to vector<8x8732xf32>
    %min3A_530 = vector.broadcast %add3A_23 : vector<1x8732xf32> to vector<8x8732xf32>
    %min3A_531 = arith.minimumf %min3A_529, %min3A_530 : vector<8x8732xf32>
    %max3A_532 = vector.broadcast %slice3A_515 : vector<8x1xf32> to vector<8x8732xf32>
    %max3A_533 = vector.broadcast %sub3A_16 : vector<1x8732xf32> to vector<8x8732xf32>
    %max3A_534 = arith.maximumf %max3A_532, %max3A_533 : vector<8x8732xf32>
    %sub3A_535 = arith.subf %min3A_531, %max3A_534 : vector<8x8732xf32>
    %max3A_536 = arith.constant 0.000000e+00 : f32
    %max3A_537 = vector.broadcast %max3A_536 : f32 to vector<8x8732xf32>
    %max3A_538 = arith.maximumf %sub3A_535, %max3A_537 : vector<8x8732xf32>
    %mul3A_539 = arith.mulf %max3A_528, %max3A_538 : vector<8x8732xf32>
    %sub3A_540 = arith.subf %slice3A_516, %slice3A_514 : vector<8x1xf32>
    %sub3A_541 = arith.subf %slice3A_517, %slice3A_515 : vector<8x1xf32>
    %mul3A_542 = arith.mulf %sub3A_540, %sub3A_541 : vector<8x1xf32>
    %add3A_543 = vector.broadcast %mul3A_542 : vector<8x1xf32> to vector<8x8732xf32>
    %add3A_544 = vector.broadcast %mul3A_24 : vector<1x8732xf32> to vector<8x8732xf32>
    %add3A_545 = arith.addf %add3A_543, %add3A_544 : vector<8x8732xf32>
    %sub3A_546 = arith.subf %add3A_545, %mul3A_539 : vector<8x8732xf32>
    %div3A_547 = arith.divf %mul3A_539, %sub3A_546 : vector<8x8732xf32>
    %reduce_max3A_548 = arith.constant dense<0xFF800000> : vector<8xf32>
    %reduce_max3A_549 = vector.multi_reduction <maximumf>, %div3A_547, %reduce_max3A_548 [1] : vector<8x8732xf32> to vector<8xf32>
    %broadcast_in_dim3A_550 = vector.shape_cast %reduce_max3A_549 : vector<8xf32> to vector<8x1xf32>
    %eq3A_551 = vector.broadcast %broadcast_in_dim3A_550 : vector<8x1xf32> to vector<8x8732xf32>
    %eq3A_552 = arith.cmpf oeq, %div3A_547, %eq3A_551 : vector<8x8732xf32>
    %jit3A_553 = arith.constant 8732 : i32
    %broadcast_in_dim3A_554 = vector.broadcast %jit3A_553 : i32 to vector<8x8732xi32>
    %select_n3A_555 = arith.select %eq3A_552, %iota3A, %broadcast_in_dim3A_554 : vector<8x8732xi1>, vector<8x8732xi32>
    %reduce_min3A_556 = arith.constant dense<2147483647> : vector<8xi32>
    %reduce_min3A_557 = vector.multi_reduction <minsi>, %select_n3A_555, %reduce_min3A_556 [1] : vector<8x8732xi32> to vector<8xi32>
    %broadcast_in_dim3A_558 = vector.shape_cast %reduce_min3A_557 : vector<8xi32> to vector<8x1xi32>
    %gt3A_559 = arith.cmpf ogt, %div3A_547, %select_n3A_513 : vector<8x8732xf32>
    %jit3A_560 = arith.constant 10 : i32
    %broadcast_in_dim3A_561 = vector.broadcast %jit3A_560 : i32 to vector<8x8732xi32>
    %select_n3A_562 = arith.select %gt3A_559, %broadcast_in_dim3A_561, %select_n3A_512 : vector<8x8732xi1>, vector<8x8732xi32>
    %select_n3A_563 = arith.select %gt3A_559, %div3A_547, %select_n3A_513 : vector<8x8732xi1>, vector<8x8732xf32>
    %slice3A_564 = vector.extract_strided_slice %get3A_27 {offsets = [0, 11], sizes = [8, 1], strides = [1, 1]} : vector<8x60xf32> to vector<8x1xf32>
    %slice3A_565 = vector.extract_strided_slice %get3A_27 {offsets = [0, 23], sizes = [8, 1], strides = [1, 1]} : vector<8x60xf32> to vector<8x1xf32>
    %slice3A_566 = vector.extract_strided_slice %get3A_27 {offsets = [0, 35], sizes = [8, 1], strides = [1, 1]} : vector<8x60xf32> to vector<8x1xf32>
    %slice3A_567 = vector.extract_strided_slice %get3A_27 {offsets = [0, 47], sizes = [8, 1], strides = [1, 1]} : vector<8x60xf32> to vector<8x1xf32>
    %slice3A_568 = vector.extract_strided_slice %get3A_27 {offsets = [0, 59], sizes = [8, 1], strides = [1, 1]} : vector<8x60xf32> to vector<8x1xf32>
    %min3A_569 = vector.broadcast %slice3A_566 : vector<8x1xf32> to vector<8x8732xf32>
    %min3A_570 = vector.broadcast %add3A : vector<1x8732xf32> to vector<8x8732xf32>
    %min3A_571 = arith.minimumf %min3A_569, %min3A_570 : vector<8x8732xf32>
    %max3A_572 = vector.broadcast %slice3A_564 : vector<8x1xf32> to vector<8x8732xf32>
    %max3A_573 = vector.broadcast %sub3A : vector<1x8732xf32> to vector<8x8732xf32>
    %max3A_574 = arith.maximumf %max3A_572, %max3A_573 : vector<8x8732xf32>
    %sub3A_575 = arith.subf %min3A_571, %max3A_574 : vector<8x8732xf32>
    %max3A_576 = arith.constant 0.000000e+00 : f32
    %max3A_577 = vector.broadcast %max3A_576 : f32 to vector<8x8732xf32>
    %max3A_578 = arith.maximumf %sub3A_575, %max3A_577 : vector<8x8732xf32>
    %min3A_579 = vector.broadcast %slice3A_567 : vector<8x1xf32> to vector<8x8732xf32>
    %min3A_580 = vector.broadcast %add3A_23 : vector<1x8732xf32> to vector<8x8732xf32>
    %min3A_581 = arith.minimumf %min3A_579, %min3A_580 : vector<8x8732xf32>
    %max3A_582 = vector.broadcast %slice3A_565 : vector<8x1xf32> to vector<8x8732xf32>
    %max3A_583 = vector.broadcast %sub3A_16 : vector<1x8732xf32> to vector<8x8732xf32>
    %max3A_584 = arith.maximumf %max3A_582, %max3A_583 : vector<8x8732xf32>
    %sub3A_585 = arith.subf %min3A_581, %max3A_584 : vector<8x8732xf32>
    %max3A_586 = arith.constant 0.000000e+00 : f32
    %max3A_587 = vector.broadcast %max3A_586 : f32 to vector<8x8732xf32>
    %max3A_588 = arith.maximumf %sub3A_585, %max3A_587 : vector<8x8732xf32>
    %mul3A_589 = arith.mulf %max3A_578, %max3A_588 : vector<8x8732xf32>
    %sub3A_590 = arith.subf %slice3A_566, %slice3A_564 : vector<8x1xf32>
    %sub3A_591 = arith.subf %slice3A_567, %slice3A_565 : vector<8x1xf32>
    %mul3A_592 = arith.mulf %sub3A_590, %sub3A_591 : vector<8x1xf32>
    %add3A_593 = vector.broadcast %mul3A_592 : vector<8x1xf32> to vector<8x8732xf32>
    %add3A_594 = vector.broadcast %mul3A_24 : vector<1x8732xf32> to vector<8x8732xf32>
    %add3A_595 = arith.addf %add3A_593, %add3A_594 : vector<8x8732xf32>
    %sub3A_596 = arith.subf %add3A_595, %mul3A_589 : vector<8x8732xf32>
    %div3A_597 = arith.divf %mul3A_589, %sub3A_596 : vector<8x8732xf32>
    %reduce_max3A_598 = arith.constant dense<0xFF800000> : vector<8xf32>
    %reduce_max3A_599 = vector.multi_reduction <maximumf>, %div3A_597, %reduce_max3A_598 [1] : vector<8x8732xf32> to vector<8xf32>
    %broadcast_in_dim3A_600 = vector.shape_cast %reduce_max3A_599 : vector<8xf32> to vector<8x1xf32>
    %eq3A_601 = vector.broadcast %broadcast_in_dim3A_600 : vector<8x1xf32> to vector<8x8732xf32>
    %eq3A_602 = arith.cmpf oeq, %div3A_597, %eq3A_601 : vector<8x8732xf32>
    %jit3A_603 = arith.constant 8732 : i32
    %broadcast_in_dim3A_604 = vector.broadcast %jit3A_603 : i32 to vector<8x8732xi32>
    %select_n3A_605 = arith.select %eq3A_602, %iota3A, %broadcast_in_dim3A_604 : vector<8x8732xi1>, vector<8x8732xi32>
    %reduce_min3A_606 = arith.constant dense<2147483647> : vector<8xi32>
    %reduce_min3A_607 = vector.multi_reduction <minsi>, %select_n3A_605, %reduce_min3A_606 [1] : vector<8x8732xi32> to vector<8xi32>
    %broadcast_in_dim3A_608 = vector.shape_cast %reduce_min3A_607 : vector<8xi32> to vector<8x1xi32>
    %gt3A_609 = arith.cmpf ogt, %div3A_597, %select_n3A_563 : vector<8x8732xf32>
    %jit3A_610 = arith.constant 11 : i32
    %broadcast_in_dim3A_611 = vector.broadcast %jit3A_610 : i32 to vector<8x8732xi32>
    %select_n3A_612 = arith.select %gt3A_609, %broadcast_in_dim3A_611, %select_n3A_562 : vector<8x8732xi1>, vector<8x8732xi32>
    %select_n3A_613 = arith.select %gt3A_609, %div3A_597, %select_n3A_563 : vector<8x8732xi1>, vector<8x8732xf32>
    %eq3A_614 = vector.broadcast %broadcast_in_dim3A_62 : vector<8x1xi32> to vector<8x8732xi32>
    %eq3A_615 = arith.cmpi eq, %iota3A, %eq3A_614 : vector<8x8732xi32>
    %jit3A_616 = arith.constant 2.000000e+00 : f32
    %broadcast_in_dim3A_617 = vector.broadcast %jit3A_616 : f32 to vector<8x8732xf32>
    %select_n3A_618 = arith.select %eq3A_615, %broadcast_in_dim3A_617, %select_n3A_613 : vector<8x8732xi1>, vector<8x8732xf32>
    %jit3A_619 = arith.constant 0 : i32
    %broadcast_in_dim3A_620 = vector.broadcast %jit3A_619 : i32 to vector<8x8732xi32>
    %select_n3A_621 = arith.select %eq3A_615, %broadcast_in_dim3A_620, %select_n3A_612 : vector<8x8732xi1>, vector<8x8732xi32>
    %eq3A_622 = vector.broadcast %broadcast_in_dim3A_109 : vector<8x1xi32> to vector<8x8732xi32>
    %eq3A_623 = arith.cmpi eq, %iota3A, %eq3A_622 : vector<8x8732xi32>
    %jit3A_624 = arith.constant 2.000000e+00 : f32
    %broadcast_in_dim3A_625 = vector.broadcast %jit3A_624 : f32 to vector<8x8732xf32>
    %select_n3A_626 = arith.select %eq3A_623, %broadcast_in_dim3A_625, %select_n3A_618 : vector<8x8732xi1>, vector<8x8732xf32>
    %jit3A_627 = arith.constant 1 : i32
    %broadcast_in_dim3A_628 = vector.broadcast %jit3A_627 : i32 to vector<8x8732xi32>
    %select_n3A_629 = arith.select %eq3A_623, %broadcast_in_dim3A_628, %select_n3A_621 : vector<8x8732xi1>, vector<8x8732xi32>
    %eq3A_630 = vector.broadcast %broadcast_in_dim3A_158 : vector<8x1xi32> to vector<8x8732xi32>
    %eq3A_631 = arith.cmpi eq, %iota3A, %eq3A_630 : vector<8x8732xi32>
    %jit3A_632 = arith.constant 2.000000e+00 : f32
    %broadcast_in_dim3A_633 = vector.broadcast %jit3A_632 : f32 to vector<8x8732xf32>
    %select_n3A_634 = arith.select %eq3A_631, %broadcast_in_dim3A_633, %select_n3A_626 : vector<8x8732xi1>, vector<8x8732xf32>
    %jit3A_635 = arith.constant 2 : i32
    %broadcast_in_dim3A_636 = vector.broadcast %jit3A_635 : i32 to vector<8x8732xi32>
    %select_n3A_637 = arith.select %eq3A_631, %broadcast_in_dim3A_636, %select_n3A_629 : vector<8x8732xi1>, vector<8x8732xi32>
    %eq3A_638 = vector.broadcast %broadcast_in_dim3A_208 : vector<8x1xi32> to vector<8x8732xi32>
    %eq3A_639 = arith.cmpi eq, %iota3A, %eq3A_638 : vector<8x8732xi32>
    %jit3A_640 = arith.constant 2.000000e+00 : f32
    %broadcast_in_dim3A_641 = vector.broadcast %jit3A_640 : f32 to vector<8x8732xf32>
    %select_n3A_642 = arith.select %eq3A_639, %broadcast_in_dim3A_641, %select_n3A_634 : vector<8x8732xi1>, vector<8x8732xf32>
    %jit3A_643 = arith.constant 3 : i32
    %broadcast_in_dim3A_644 = vector.broadcast %jit3A_643 : i32 to vector<8x8732xi32>
    %select_n3A_645 = arith.select %eq3A_639, %broadcast_in_dim3A_644, %select_n3A_637 : vector<8x8732xi1>, vector<8x8732xi32>
    %eq3A_646 = vector.broadcast %broadcast_in_dim3A_258 : vector<8x1xi32> to vector<8x8732xi32>
    %eq3A_647 = arith.cmpi eq, %iota3A, %eq3A_646 : vector<8x8732xi32>
    %jit3A_648 = arith.constant 2.000000e+00 : f32
    %broadcast_in_dim3A_649 = vector.broadcast %jit3A_648 : f32 to vector<8x8732xf32>
    %select_n3A_650 = arith.select %eq3A_647, %broadcast_in_dim3A_649, %select_n3A_642 : vector<8x8732xi1>, vector<8x8732xf32>
    %jit3A_651 = arith.constant 4 : i32
    %broadcast_in_dim3A_652 = vector.broadcast %jit3A_651 : i32 to vector<8x8732xi32>
    %select_n3A_653 = arith.select %eq3A_647, %broadcast_in_dim3A_652, %select_n3A_645 : vector<8x8732xi1>, vector<8x8732xi32>
    %eq3A_654 = vector.broadcast %broadcast_in_dim3A_308 : vector<8x1xi32> to vector<8x8732xi32>
    %eq3A_655 = arith.cmpi eq, %iota3A, %eq3A_654 : vector<8x8732xi32>
    %jit3A_656 = arith.constant 2.000000e+00 : f32
    %broadcast_in_dim3A_657 = vector.broadcast %jit3A_656 : f32 to vector<8x8732xf32>
    %select_n3A_658 = arith.select %eq3A_655, %broadcast_in_dim3A_657, %select_n3A_650 : vector<8x8732xi1>, vector<8x8732xf32>
    %jit3A_659 = arith.constant 5 : i32
    %broadcast_in_dim3A_660 = vector.broadcast %jit3A_659 : i32 to vector<8x8732xi32>
    %select_n3A_661 = arith.select %eq3A_655, %broadcast_in_dim3A_660, %select_n3A_653 : vector<8x8732xi1>, vector<8x8732xi32>
    %eq3A_662 = vector.broadcast %broadcast_in_dim3A_358 : vector<8x1xi32> to vector<8x8732xi32>
    %eq3A_663 = arith.cmpi eq, %iota3A, %eq3A_662 : vector<8x8732xi32>
    %jit3A_664 = arith.constant 2.000000e+00 : f32
    %broadcast_in_dim3A_665 = vector.broadcast %jit3A_664 : f32 to vector<8x8732xf32>
    %select_n3A_666 = arith.select %eq3A_663, %broadcast_in_dim3A_665, %select_n3A_658 : vector<8x8732xi1>, vector<8x8732xf32>
    %jit3A_667 = arith.constant 6 : i32
    %broadcast_in_dim3A_668 = vector.broadcast %jit3A_667 : i32 to vector<8x8732xi32>
    %select_n3A_669 = arith.select %eq3A_663, %broadcast_in_dim3A_668, %select_n3A_661 : vector<8x8732xi1>, vector<8x8732xi32>
    %eq3A_670 = vector.broadcast %broadcast_in_dim3A_408 : vector<8x1xi32> to vector<8x8732xi32>
    %eq3A_671 = arith.cmpi eq, %iota3A, %eq3A_670 : vector<8x8732xi32>
    %jit3A_672 = arith.constant 2.000000e+00 : f32
    %broadcast_in_dim3A_673 = vector.broadcast %jit3A_672 : f32 to vector<8x8732xf32>
    %select_n3A_674 = arith.select %eq3A_671, %broadcast_in_dim3A_673, %select_n3A_666 : vector<8x8732xi1>, vector<8x8732xf32>
    %jit3A_675 = arith.constant 7 : i32
    %broadcast_in_dim3A_676 = vector.broadcast %jit3A_675 : i32 to vector<8x8732xi32>
    %select_n3A_677 = arith.select %eq3A_671, %broadcast_in_dim3A_676, %select_n3A_669 : vector<8x8732xi1>, vector<8x8732xi32>
    %eq3A_678 = vector.broadcast %broadcast_in_dim3A_458 : vector<8x1xi32> to vector<8x8732xi32>
    %eq3A_679 = arith.cmpi eq, %iota3A, %eq3A_678 : vector<8x8732xi32>
    %jit3A_680 = arith.constant 2.000000e+00 : f32
    %broadcast_in_dim3A_681 = vector.broadcast %jit3A_680 : f32 to vector<8x8732xf32>
    %select_n3A_682 = arith.select %eq3A_679, %broadcast_in_dim3A_681, %select_n3A_674 : vector<8x8732xi1>, vector<8x8732xf32>
    %jit3A_683 = arith.constant 8 : i32
    %broadcast_in_dim3A_684 = vector.broadcast %jit3A_683 : i32 to vector<8x8732xi32>
    %select_n3A_685 = arith.select %eq3A_679, %broadcast_in_dim3A_684, %select_n3A_677 : vector<8x8732xi1>, vector<8x8732xi32>
    %eq3A_686 = vector.broadcast %broadcast_in_dim3A_508 : vector<8x1xi32> to vector<8x8732xi32>
    %eq3A_687 = arith.cmpi eq, %iota3A, %eq3A_686 : vector<8x8732xi32>
    %jit3A_688 = arith.constant 2.000000e+00 : f32
    %broadcast_in_dim3A_689 = vector.broadcast %jit3A_688 : f32 to vector<8x8732xf32>
    %select_n3A_690 = arith.select %eq3A_687, %broadcast_in_dim3A_689, %select_n3A_682 : vector<8x8732xi1>, vector<8x8732xf32>
    %jit3A_691 = arith.constant 9 : i32
    %broadcast_in_dim3A_692 = vector.broadcast %jit3A_691 : i32 to vector<8x8732xi32>
    %select_n3A_693 = arith.select %eq3A_687, %broadcast_in_dim3A_692, %select_n3A_685 : vector<8x8732xi1>, vector<8x8732xi32>
    %eq3A_694 = vector.broadcast %broadcast_in_dim3A_558 : vector<8x1xi32> to vector<8x8732xi32>
    %eq3A_695 = arith.cmpi eq, %iota3A, %eq3A_694 : vector<8x8732xi32>
    %jit3A_696 = arith.constant 2.000000e+00 : f32
    %broadcast_in_dim3A_697 = vector.broadcast %jit3A_696 : f32 to vector<8x8732xf32>
    %select_n3A_698 = arith.select %eq3A_695, %broadcast_in_dim3A_697, %select_n3A_690 : vector<8x8732xi1>, vector<8x8732xf32>
    %jit3A_699 = arith.constant 10 : i32
    %broadcast_in_dim3A_700 = vector.broadcast %jit3A_699 : i32 to vector<8x8732xi32>
    %select_n3A_701 = arith.select %eq3A_695, %broadcast_in_dim3A_700, %select_n3A_693 : vector<8x8732xi1>, vector<8x8732xi32>
    %eq3A_702 = vector.broadcast %broadcast_in_dim3A_608 : vector<8x1xi32> to vector<8x8732xi32>
    %eq3A_703 = arith.cmpi eq, %iota3A, %eq3A_702 : vector<8x8732xi32>
    %jit3A_704 = arith.constant 2.000000e+00 : f32
    %broadcast_in_dim3A_705 = vector.broadcast %jit3A_704 : f32 to vector<8x8732xf32>
    %select_n3A_706 = arith.select %eq3A_703, %broadcast_in_dim3A_705, %select_n3A_698 : vector<8x8732xi1>, vector<8x8732xf32>
    %jit3A_707 = arith.constant 11 : i32
    %broadcast_in_dim3A_708 = vector.broadcast %jit3A_707 : i32 to vector<8x8732xi32>
    %select_n3A_709 = arith.select %eq3A_703, %broadcast_in_dim3A_708, %select_n3A_701 : vector<8x8732xi1>, vector<8x8732xi32>
    %broadcast_in_dim3A_710 = arith.constant 0 : i32
    %broadcast_in_dim3A_711 = vector.broadcast %broadcast_in_dim3A_710 : i32 to vector<8x8732xi32>
    %broadcast_in_dim3A_712 = arith.constant 0.000000e+00 : f32
    %broadcast_in_dim3A_713 = vector.broadcast %broadcast_in_dim3A_712 : f32 to vector<8x8732xf32>
    %broadcast_in_dim3A_714 = arith.constant 0.000000e+00 : f32
    %broadcast_in_dim3A_715 = vector.broadcast %broadcast_in_dim3A_714 : f32 to vector<8x8732xf32>
    %broadcast_in_dim3A_716 = arith.constant 0.000000e+00 : f32
    %broadcast_in_dim3A_717 = vector.broadcast %broadcast_in_dim3A_716 : f32 to vector<8x8732xf32>
    %broadcast_in_dim3A_718 = arith.constant 0.000000e+00 : f32
    %broadcast_in_dim3A_719 = vector.broadcast %broadcast_in_dim3A_718 : f32 to vector<8x8732xf32>
    %eq3A_720 = arith.constant 0 : i32
    %eq3A_721 = vector.broadcast %eq3A_720 : i32 to vector<8x8732xi32>
    %eq3A_722 = arith.cmpi eq, %select_n3A_709, %eq3A_721 : vector<8x8732xi32>
    %convert_element_type3A = arith.fptosi %slice3A_31 : vector<8x1xf32> to vector<8x1xi32>
    %add3A_723 = arith.constant 1 : i32
    %add3A_724 = vector.broadcast %add3A_723 : i32 to vector<8x1xi32>
    %add3A_725 = arith.addi %convert_element_type3A, %add3A_724 : vector<8x1xi32>
    %broadcast_in_dim3A_726 = vector.shape_cast %add3A_725 : vector<8x1xi32> to vector<8x1xi32>
    %broadcast_in_dim3A_727 = vector.broadcast %broadcast_in_dim3A_726 : vector<8x1xi32> to vector<8x8732xi32>
    %select_n3A_728 = arith.select %eq3A_722, %broadcast_in_dim3A_727, %broadcast_in_dim3A_711 : vector<8x8732xi1>, vector<8x8732xi32>
    %broadcast_in_dim3A_729 = vector.shape_cast %slice3A : vector<8x1xf32> to vector<8x1xf32>
    %broadcast_in_dim3A_730 = vector.broadcast %broadcast_in_dim3A_729 : vector<8x1xf32> to vector<8x8732xf32>
    %select_n3A_731 = arith.select %eq3A_722, %broadcast_in_dim3A_730, %broadcast_in_dim3A_713 : vector<8x8732xi1>, vector<8x8732xf32>
    %broadcast_in_dim3A_732 = vector.shape_cast %slice3A_28 : vector<8x1xf32> to vector<8x1xf32>
    %broadcast_in_dim3A_733 = vector.broadcast %broadcast_in_dim3A_732 : vector<8x1xf32> to vector<8x8732xf32>
    %select_n3A_734 = arith.select %eq3A_722, %broadcast_in_dim3A_733, %broadcast_in_dim3A_715 : vector<8x8732xi1>, vector<8x8732xf32>
    %broadcast_in_dim3A_735 = vector.shape_cast %slice3A_29 : vector<8x1xf32> to vector<8x1xf32>
    %broadcast_in_dim3A_736 = vector.broadcast %broadcast_in_dim3A_735 : vector<8x1xf32> to vector<8x8732xf32>
    %select_n3A_737 = arith.select %eq3A_722, %broadcast_in_dim3A_736, %broadcast_in_dim3A_717 : vector<8x8732xi1>, vector<8x8732xf32>
    %broadcast_in_dim3A_738 = vector.shape_cast %slice3A_30 : vector<8x1xf32> to vector<8x1xf32>
    %broadcast_in_dim3A_739 = vector.broadcast %broadcast_in_dim3A_738 : vector<8x1xf32> to vector<8x8732xf32>
    %select_n3A_740 = arith.select %eq3A_722, %broadcast_in_dim3A_739, %broadcast_in_dim3A_719 : vector<8x8732xi1>, vector<8x8732xf32>
    %eq3A_741 = arith.constant 1 : i32
    %eq3A_742 = vector.broadcast %eq3A_741 : i32 to vector<8x8732xi32>
    %eq3A_743 = arith.cmpi eq, %select_n3A_709, %eq3A_742 : vector<8x8732xi32>
    %convert_element_type3A_744 = arith.fptosi %slice3A_69 : vector<8x1xf32> to vector<8x1xi32>
    %add3A_745 = arith.constant 1 : i32
    %add3A_746 = vector.broadcast %add3A_745 : i32 to vector<8x1xi32>
    %add3A_747 = arith.addi %convert_element_type3A_744, %add3A_746 : vector<8x1xi32>
    %broadcast_in_dim3A_748 = vector.shape_cast %add3A_747 : vector<8x1xi32> to vector<8x1xi32>
    %broadcast_in_dim3A_749 = vector.broadcast %broadcast_in_dim3A_748 : vector<8x1xi32> to vector<8x8732xi32>
    %select_n3A_750 = arith.select %eq3A_743, %broadcast_in_dim3A_749, %select_n3A_728 : vector<8x8732xi1>, vector<8x8732xi32>
    %broadcast_in_dim3A_751 = vector.shape_cast %slice3A_65 : vector<8x1xf32> to vector<8x1xf32>
    %broadcast_in_dim3A_752 = vector.broadcast %broadcast_in_dim3A_751 : vector<8x1xf32> to vector<8x8732xf32>
    %select_n3A_753 = arith.select %eq3A_743, %broadcast_in_dim3A_752, %select_n3A_731 : vector<8x8732xi1>, vector<8x8732xf32>
    %broadcast_in_dim3A_754 = vector.shape_cast %slice3A_66 : vector<8x1xf32> to vector<8x1xf32>
    %broadcast_in_dim3A_755 = vector.broadcast %broadcast_in_dim3A_754 : vector<8x1xf32> to vector<8x8732xf32>
    %select_n3A_756 = arith.select %eq3A_743, %broadcast_in_dim3A_755, %select_n3A_734 : vector<8x8732xi1>, vector<8x8732xf32>
    %broadcast_in_dim3A_757 = vector.shape_cast %slice3A_67 : vector<8x1xf32> to vector<8x1xf32>
    %broadcast_in_dim3A_758 = vector.broadcast %broadcast_in_dim3A_757 : vector<8x1xf32> to vector<8x8732xf32>
    %select_n3A_759 = arith.select %eq3A_743, %broadcast_in_dim3A_758, %select_n3A_737 : vector<8x8732xi1>, vector<8x8732xf32>
    %broadcast_in_dim3A_760 = vector.shape_cast %slice3A_68 : vector<8x1xf32> to vector<8x1xf32>
    %broadcast_in_dim3A_761 = vector.broadcast %broadcast_in_dim3A_760 : vector<8x1xf32> to vector<8x8732xf32>
    %select_n3A_762 = arith.select %eq3A_743, %broadcast_in_dim3A_761, %select_n3A_740 : vector<8x8732xi1>, vector<8x8732xf32>
    %eq3A_763 = arith.constant 2 : i32
    %eq3A_764 = vector.broadcast %eq3A_763 : i32 to vector<8x8732xi32>
    %eq3A_765 = arith.cmpi eq, %select_n3A_709, %eq3A_764 : vector<8x8732xi32>
    %convert_element_type3A_766 = arith.fptosi %slice3A_118 : vector<8x1xf32> to vector<8x1xi32>
    %add3A_767 = arith.constant 1 : i32
    %add3A_768 = vector.broadcast %add3A_767 : i32 to vector<8x1xi32>
    %add3A_769 = arith.addi %convert_element_type3A_766, %add3A_768 : vector<8x1xi32>
    %broadcast_in_dim3A_770 = vector.shape_cast %add3A_769 : vector<8x1xi32> to vector<8x1xi32>
    %broadcast_in_dim3A_771 = vector.broadcast %broadcast_in_dim3A_770 : vector<8x1xi32> to vector<8x8732xi32>
    %select_n3A_772 = arith.select %eq3A_765, %broadcast_in_dim3A_771, %select_n3A_750 : vector<8x8732xi1>, vector<8x8732xi32>
    %broadcast_in_dim3A_773 = vector.shape_cast %slice3A_114 : vector<8x1xf32> to vector<8x1xf32>
    %broadcast_in_dim3A_774 = vector.broadcast %broadcast_in_dim3A_773 : vector<8x1xf32> to vector<8x8732xf32>
    %select_n3A_775 = arith.select %eq3A_765, %broadcast_in_dim3A_774, %select_n3A_753 : vector<8x8732xi1>, vector<8x8732xf32>
    %broadcast_in_dim3A_776 = vector.shape_cast %slice3A_115 : vector<8x1xf32> to vector<8x1xf32>
    %broadcast_in_dim3A_777 = vector.broadcast %broadcast_in_dim3A_776 : vector<8x1xf32> to vector<8x8732xf32>
    %select_n3A_778 = arith.select %eq3A_765, %broadcast_in_dim3A_777, %select_n3A_756 : vector<8x8732xi1>, vector<8x8732xf32>
    %broadcast_in_dim3A_779 = vector.shape_cast %slice3A_116 : vector<8x1xf32> to vector<8x1xf32>
    %broadcast_in_dim3A_780 = vector.broadcast %broadcast_in_dim3A_779 : vector<8x1xf32> to vector<8x8732xf32>
    %select_n3A_781 = arith.select %eq3A_765, %broadcast_in_dim3A_780, %select_n3A_759 : vector<8x8732xi1>, vector<8x8732xf32>
    %broadcast_in_dim3A_782 = vector.shape_cast %slice3A_117 : vector<8x1xf32> to vector<8x1xf32>
    %broadcast_in_dim3A_783 = vector.broadcast %broadcast_in_dim3A_782 : vector<8x1xf32> to vector<8x8732xf32>
    %select_n3A_784 = arith.select %eq3A_765, %broadcast_in_dim3A_783, %select_n3A_762 : vector<8x8732xi1>, vector<8x8732xf32>
    %eq3A_785 = arith.constant 3 : i32
    %eq3A_786 = vector.broadcast %eq3A_785 : i32 to vector<8x8732xi32>
    %eq3A_787 = arith.cmpi eq, %select_n3A_709, %eq3A_786 : vector<8x8732xi32>
    %convert_element_type3A_788 = arith.fptosi %slice3A_168 : vector<8x1xf32> to vector<8x1xi32>
    %add3A_789 = arith.constant 1 : i32
    %add3A_790 = vector.broadcast %add3A_789 : i32 to vector<8x1xi32>
    %add3A_791 = arith.addi %convert_element_type3A_788, %add3A_790 : vector<8x1xi32>
    %broadcast_in_dim3A_792 = vector.shape_cast %add3A_791 : vector<8x1xi32> to vector<8x1xi32>
    %broadcast_in_dim3A_793 = vector.broadcast %broadcast_in_dim3A_792 : vector<8x1xi32> to vector<8x8732xi32>
    %select_n3A_794 = arith.select %eq3A_787, %broadcast_in_dim3A_793, %select_n3A_772 : vector<8x8732xi1>, vector<8x8732xi32>
    %broadcast_in_dim3A_795 = vector.shape_cast %slice3A_164 : vector<8x1xf32> to vector<8x1xf32>
    %broadcast_in_dim3A_796 = vector.broadcast %broadcast_in_dim3A_795 : vector<8x1xf32> to vector<8x8732xf32>
    %select_n3A_797 = arith.select %eq3A_787, %broadcast_in_dim3A_796, %select_n3A_775 : vector<8x8732xi1>, vector<8x8732xf32>
    %broadcast_in_dim3A_798 = vector.shape_cast %slice3A_165 : vector<8x1xf32> to vector<8x1xf32>
    %broadcast_in_dim3A_799 = vector.broadcast %broadcast_in_dim3A_798 : vector<8x1xf32> to vector<8x8732xf32>
    %select_n3A_800 = arith.select %eq3A_787, %broadcast_in_dim3A_799, %select_n3A_778 : vector<8x8732xi1>, vector<8x8732xf32>
    %broadcast_in_dim3A_801 = vector.shape_cast %slice3A_166 : vector<8x1xf32> to vector<8x1xf32>
    %broadcast_in_dim3A_802 = vector.broadcast %broadcast_in_dim3A_801 : vector<8x1xf32> to vector<8x8732xf32>
    %select_n3A_803 = arith.select %eq3A_787, %broadcast_in_dim3A_802, %select_n3A_781 : vector<8x8732xi1>, vector<8x8732xf32>
    %broadcast_in_dim3A_804 = vector.shape_cast %slice3A_167 : vector<8x1xf32> to vector<8x1xf32>
    %broadcast_in_dim3A_805 = vector.broadcast %broadcast_in_dim3A_804 : vector<8x1xf32> to vector<8x8732xf32>
    %select_n3A_806 = arith.select %eq3A_787, %broadcast_in_dim3A_805, %select_n3A_784 : vector<8x8732xi1>, vector<8x8732xf32>
    %eq3A_807 = arith.constant 4 : i32
    %eq3A_808 = vector.broadcast %eq3A_807 : i32 to vector<8x8732xi32>
    %eq3A_809 = arith.cmpi eq, %select_n3A_709, %eq3A_808 : vector<8x8732xi32>
    %convert_element_type3A_810 = arith.fptosi %slice3A_218 : vector<8x1xf32> to vector<8x1xi32>
    %add3A_811 = arith.constant 1 : i32
    %add3A_812 = vector.broadcast %add3A_811 : i32 to vector<8x1xi32>
    %add3A_813 = arith.addi %convert_element_type3A_810, %add3A_812 : vector<8x1xi32>
    %broadcast_in_dim3A_814 = vector.shape_cast %add3A_813 : vector<8x1xi32> to vector<8x1xi32>
    %broadcast_in_dim3A_815 = vector.broadcast %broadcast_in_dim3A_814 : vector<8x1xi32> to vector<8x8732xi32>
    %select_n3A_816 = arith.select %eq3A_809, %broadcast_in_dim3A_815, %select_n3A_794 : vector<8x8732xi1>, vector<8x8732xi32>
    %broadcast_in_dim3A_817 = vector.shape_cast %slice3A_214 : vector<8x1xf32> to vector<8x1xf32>
    %broadcast_in_dim3A_818 = vector.broadcast %broadcast_in_dim3A_817 : vector<8x1xf32> to vector<8x8732xf32>
    %select_n3A_819 = arith.select %eq3A_809, %broadcast_in_dim3A_818, %select_n3A_797 : vector<8x8732xi1>, vector<8x8732xf32>
    %broadcast_in_dim3A_820 = vector.shape_cast %slice3A_215 : vector<8x1xf32> to vector<8x1xf32>
    %broadcast_in_dim3A_821 = vector.broadcast %broadcast_in_dim3A_820 : vector<8x1xf32> to vector<8x8732xf32>
    %select_n3A_822 = arith.select %eq3A_809, %broadcast_in_dim3A_821, %select_n3A_800 : vector<8x8732xi1>, vector<8x8732xf32>
    %broadcast_in_dim3A_823 = vector.shape_cast %slice3A_216 : vector<8x1xf32> to vector<8x1xf32>
    %broadcast_in_dim3A_824 = vector.broadcast %broadcast_in_dim3A_823 : vector<8x1xf32> to vector<8x8732xf32>
    %select_n3A_825 = arith.select %eq3A_809, %broadcast_in_dim3A_824, %select_n3A_803 : vector<8x8732xi1>, vector<8x8732xf32>
    %broadcast_in_dim3A_826 = vector.shape_cast %slice3A_217 : vector<8x1xf32> to vector<8x1xf32>
    %broadcast_in_dim3A_827 = vector.broadcast %broadcast_in_dim3A_826 : vector<8x1xf32> to vector<8x8732xf32>
    %select_n3A_828 = arith.select %eq3A_809, %broadcast_in_dim3A_827, %select_n3A_806 : vector<8x8732xi1>, vector<8x8732xf32>
    %eq3A_829 = arith.constant 5 : i32
    %eq3A_830 = vector.broadcast %eq3A_829 : i32 to vector<8x8732xi32>
    %eq3A_831 = arith.cmpi eq, %select_n3A_709, %eq3A_830 : vector<8x8732xi32>
    %convert_element_type3A_832 = arith.fptosi %slice3A_268 : vector<8x1xf32> to vector<8x1xi32>
    %add3A_833 = arith.constant 1 : i32
    %add3A_834 = vector.broadcast %add3A_833 : i32 to vector<8x1xi32>
    %add3A_835 = arith.addi %convert_element_type3A_832, %add3A_834 : vector<8x1xi32>
    %broadcast_in_dim3A_836 = vector.shape_cast %add3A_835 : vector<8x1xi32> to vector<8x1xi32>
    %broadcast_in_dim3A_837 = vector.broadcast %broadcast_in_dim3A_836 : vector<8x1xi32> to vector<8x8732xi32>
    %select_n3A_838 = arith.select %eq3A_831, %broadcast_in_dim3A_837, %select_n3A_816 : vector<8x8732xi1>, vector<8x8732xi32>
    %broadcast_in_dim3A_839 = vector.shape_cast %slice3A_264 : vector<8x1xf32> to vector<8x1xf32>
    %broadcast_in_dim3A_840 = vector.broadcast %broadcast_in_dim3A_839 : vector<8x1xf32> to vector<8x8732xf32>
    %select_n3A_841 = arith.select %eq3A_831, %broadcast_in_dim3A_840, %select_n3A_819 : vector<8x8732xi1>, vector<8x8732xf32>
    %broadcast_in_dim3A_842 = vector.shape_cast %slice3A_265 : vector<8x1xf32> to vector<8x1xf32>
    %broadcast_in_dim3A_843 = vector.broadcast %broadcast_in_dim3A_842 : vector<8x1xf32> to vector<8x8732xf32>
    %select_n3A_844 = arith.select %eq3A_831, %broadcast_in_dim3A_843, %select_n3A_822 : vector<8x8732xi1>, vector<8x8732xf32>
    %broadcast_in_dim3A_845 = vector.shape_cast %slice3A_266 : vector<8x1xf32> to vector<8x1xf32>
    %broadcast_in_dim3A_846 = vector.broadcast %broadcast_in_dim3A_845 : vector<8x1xf32> to vector<8x8732xf32>
    %select_n3A_847 = arith.select %eq3A_831, %broadcast_in_dim3A_846, %select_n3A_825 : vector<8x8732xi1>, vector<8x8732xf32>
    %broadcast_in_dim3A_848 = vector.shape_cast %slice3A_267 : vector<8x1xf32> to vector<8x1xf32>
    %broadcast_in_dim3A_849 = vector.broadcast %broadcast_in_dim3A_848 : vector<8x1xf32> to vector<8x8732xf32>
    %select_n3A_850 = arith.select %eq3A_831, %broadcast_in_dim3A_849, %select_n3A_828 : vector<8x8732xi1>, vector<8x8732xf32>
    %eq3A_851 = arith.constant 6 : i32
    %eq3A_852 = vector.broadcast %eq3A_851 : i32 to vector<8x8732xi32>
    %eq3A_853 = arith.cmpi eq, %select_n3A_709, %eq3A_852 : vector<8x8732xi32>
    %convert_element_type3A_854 = arith.fptosi %slice3A_318 : vector<8x1xf32> to vector<8x1xi32>
    %add3A_855 = arith.constant 1 : i32
    %add3A_856 = vector.broadcast %add3A_855 : i32 to vector<8x1xi32>
    %add3A_857 = arith.addi %convert_element_type3A_854, %add3A_856 : vector<8x1xi32>
    %broadcast_in_dim3A_858 = vector.shape_cast %add3A_857 : vector<8x1xi32> to vector<8x1xi32>
    %broadcast_in_dim3A_859 = vector.broadcast %broadcast_in_dim3A_858 : vector<8x1xi32> to vector<8x8732xi32>
    %select_n3A_860 = arith.select %eq3A_853, %broadcast_in_dim3A_859, %select_n3A_838 : vector<8x8732xi1>, vector<8x8732xi32>
    %broadcast_in_dim3A_861 = vector.shape_cast %slice3A_314 : vector<8x1xf32> to vector<8x1xf32>
    %broadcast_in_dim3A_862 = vector.broadcast %broadcast_in_dim3A_861 : vector<8x1xf32> to vector<8x8732xf32>
    %select_n3A_863 = arith.select %eq3A_853, %broadcast_in_dim3A_862, %select_n3A_841 : vector<8x8732xi1>, vector<8x8732xf32>
    %broadcast_in_dim3A_864 = vector.shape_cast %slice3A_315 : vector<8x1xf32> to vector<8x1xf32>
    %broadcast_in_dim3A_865 = vector.broadcast %broadcast_in_dim3A_864 : vector<8x1xf32> to vector<8x8732xf32>
    %select_n3A_866 = arith.select %eq3A_853, %broadcast_in_dim3A_865, %select_n3A_844 : vector<8x8732xi1>, vector<8x8732xf32>
    %broadcast_in_dim3A_867 = vector.shape_cast %slice3A_316 : vector<8x1xf32> to vector<8x1xf32>
    %broadcast_in_dim3A_868 = vector.broadcast %broadcast_in_dim3A_867 : vector<8x1xf32> to vector<8x8732xf32>
    %select_n3A_869 = arith.select %eq3A_853, %broadcast_in_dim3A_868, %select_n3A_847 : vector<8x8732xi1>, vector<8x8732xf32>
    %broadcast_in_dim3A_870 = vector.shape_cast %slice3A_317 : vector<8x1xf32> to vector<8x1xf32>
    %broadcast_in_dim3A_871 = vector.broadcast %broadcast_in_dim3A_870 : vector<8x1xf32> to vector<8x8732xf32>
    %select_n3A_872 = arith.select %eq3A_853, %broadcast_in_dim3A_871, %select_n3A_850 : vector<8x8732xi1>, vector<8x8732xf32>
    %eq3A_873 = arith.constant 7 : i32
    %eq3A_874 = vector.broadcast %eq3A_873 : i32 to vector<8x8732xi32>
    %eq3A_875 = arith.cmpi eq, %select_n3A_709, %eq3A_874 : vector<8x8732xi32>
    %convert_element_type3A_876 = arith.fptosi %slice3A_368 : vector<8x1xf32> to vector<8x1xi32>
    %add3A_877 = arith.constant 1 : i32
    %add3A_878 = vector.broadcast %add3A_877 : i32 to vector<8x1xi32>
    %add3A_879 = arith.addi %convert_element_type3A_876, %add3A_878 : vector<8x1xi32>
    %broadcast_in_dim3A_880 = vector.shape_cast %add3A_879 : vector<8x1xi32> to vector<8x1xi32>
    %broadcast_in_dim3A_881 = vector.broadcast %broadcast_in_dim3A_880 : vector<8x1xi32> to vector<8x8732xi32>
    %select_n3A_882 = arith.select %eq3A_875, %broadcast_in_dim3A_881, %select_n3A_860 : vector<8x8732xi1>, vector<8x8732xi32>
    %broadcast_in_dim3A_883 = vector.shape_cast %slice3A_364 : vector<8x1xf32> to vector<8x1xf32>
    %broadcast_in_dim3A_884 = vector.broadcast %broadcast_in_dim3A_883 : vector<8x1xf32> to vector<8x8732xf32>
    %select_n3A_885 = arith.select %eq3A_875, %broadcast_in_dim3A_884, %select_n3A_863 : vector<8x8732xi1>, vector<8x8732xf32>
    %broadcast_in_dim3A_886 = vector.shape_cast %slice3A_365 : vector<8x1xf32> to vector<8x1xf32>
    %broadcast_in_dim3A_887 = vector.broadcast %broadcast_in_dim3A_886 : vector<8x1xf32> to vector<8x8732xf32>
    %select_n3A_888 = arith.select %eq3A_875, %broadcast_in_dim3A_887, %select_n3A_866 : vector<8x8732xi1>, vector<8x8732xf32>
    %broadcast_in_dim3A_889 = vector.shape_cast %slice3A_366 : vector<8x1xf32> to vector<8x1xf32>
    %broadcast_in_dim3A_890 = vector.broadcast %broadcast_in_dim3A_889 : vector<8x1xf32> to vector<8x8732xf32>
    %select_n3A_891 = arith.select %eq3A_875, %broadcast_in_dim3A_890, %select_n3A_869 : vector<8x8732xi1>, vector<8x8732xf32>
    %broadcast_in_dim3A_892 = vector.shape_cast %slice3A_367 : vector<8x1xf32> to vector<8x1xf32>
    %broadcast_in_dim3A_893 = vector.broadcast %broadcast_in_dim3A_892 : vector<8x1xf32> to vector<8x8732xf32>
    %select_n3A_894 = arith.select %eq3A_875, %broadcast_in_dim3A_893, %select_n3A_872 : vector<8x8732xi1>, vector<8x8732xf32>
    %eq3A_895 = arith.constant 8 : i32
    %eq3A_896 = vector.broadcast %eq3A_895 : i32 to vector<8x8732xi32>
    %eq3A_897 = arith.cmpi eq, %select_n3A_709, %eq3A_896 : vector<8x8732xi32>
    %convert_element_type3A_898 = arith.fptosi %slice3A_418 : vector<8x1xf32> to vector<8x1xi32>
    %add3A_899 = arith.constant 1 : i32
    %add3A_900 = vector.broadcast %add3A_899 : i32 to vector<8x1xi32>
    %add3A_901 = arith.addi %convert_element_type3A_898, %add3A_900 : vector<8x1xi32>
    %broadcast_in_dim3A_902 = vector.shape_cast %add3A_901 : vector<8x1xi32> to vector<8x1xi32>
    %broadcast_in_dim3A_903 = vector.broadcast %broadcast_in_dim3A_902 : vector<8x1xi32> to vector<8x8732xi32>
    %select_n3A_904 = arith.select %eq3A_897, %broadcast_in_dim3A_903, %select_n3A_882 : vector<8x8732xi1>, vector<8x8732xi32>
    %broadcast_in_dim3A_905 = vector.shape_cast %slice3A_414 : vector<8x1xf32> to vector<8x1xf32>
    %broadcast_in_dim3A_906 = vector.broadcast %broadcast_in_dim3A_905 : vector<8x1xf32> to vector<8x8732xf32>
    %select_n3A_907 = arith.select %eq3A_897, %broadcast_in_dim3A_906, %select_n3A_885 : vector<8x8732xi1>, vector<8x8732xf32>
    %broadcast_in_dim3A_908 = vector.shape_cast %slice3A_415 : vector<8x1xf32> to vector<8x1xf32>
    %broadcast_in_dim3A_909 = vector.broadcast %broadcast_in_dim3A_908 : vector<8x1xf32> to vector<8x8732xf32>
    %select_n3A_910 = arith.select %eq3A_897, %broadcast_in_dim3A_909, %select_n3A_888 : vector<8x8732xi1>, vector<8x8732xf32>
    %broadcast_in_dim3A_911 = vector.shape_cast %slice3A_416 : vector<8x1xf32> to vector<8x1xf32>
    %broadcast_in_dim3A_912 = vector.broadcast %broadcast_in_dim3A_911 : vector<8x1xf32> to vector<8x8732xf32>
    %select_n3A_913 = arith.select %eq3A_897, %broadcast_in_dim3A_912, %select_n3A_891 : vector<8x8732xi1>, vector<8x8732xf32>
    %broadcast_in_dim3A_914 = vector.shape_cast %slice3A_417 : vector<8x1xf32> to vector<8x1xf32>
    %broadcast_in_dim3A_915 = vector.broadcast %broadcast_in_dim3A_914 : vector<8x1xf32> to vector<8x8732xf32>
    %select_n3A_916 = arith.select %eq3A_897, %broadcast_in_dim3A_915, %select_n3A_894 : vector<8x8732xi1>, vector<8x8732xf32>
    %eq3A_917 = arith.constant 9 : i32
    %eq3A_918 = vector.broadcast %eq3A_917 : i32 to vector<8x8732xi32>
    %eq3A_919 = arith.cmpi eq, %select_n3A_709, %eq3A_918 : vector<8x8732xi32>
    %convert_element_type3A_920 = arith.fptosi %slice3A_468 : vector<8x1xf32> to vector<8x1xi32>
    %add3A_921 = arith.constant 1 : i32
    %add3A_922 = vector.broadcast %add3A_921 : i32 to vector<8x1xi32>
    %add3A_923 = arith.addi %convert_element_type3A_920, %add3A_922 : vector<8x1xi32>
    %broadcast_in_dim3A_924 = vector.shape_cast %add3A_923 : vector<8x1xi32> to vector<8x1xi32>
    %broadcast_in_dim3A_925 = vector.broadcast %broadcast_in_dim3A_924 : vector<8x1xi32> to vector<8x8732xi32>
    %select_n3A_926 = arith.select %eq3A_919, %broadcast_in_dim3A_925, %select_n3A_904 : vector<8x8732xi1>, vector<8x8732xi32>
    %broadcast_in_dim3A_927 = vector.shape_cast %slice3A_464 : vector<8x1xf32> to vector<8x1xf32>
    %broadcast_in_dim3A_928 = vector.broadcast %broadcast_in_dim3A_927 : vector<8x1xf32> to vector<8x8732xf32>
    %select_n3A_929 = arith.select %eq3A_919, %broadcast_in_dim3A_928, %select_n3A_907 : vector<8x8732xi1>, vector<8x8732xf32>
    %broadcast_in_dim3A_930 = vector.shape_cast %slice3A_465 : vector<8x1xf32> to vector<8x1xf32>
    %broadcast_in_dim3A_931 = vector.broadcast %broadcast_in_dim3A_930 : vector<8x1xf32> to vector<8x8732xf32>
    %select_n3A_932 = arith.select %eq3A_919, %broadcast_in_dim3A_931, %select_n3A_910 : vector<8x8732xi1>, vector<8x8732xf32>
    %broadcast_in_dim3A_933 = vector.shape_cast %slice3A_466 : vector<8x1xf32> to vector<8x1xf32>
    %broadcast_in_dim3A_934 = vector.broadcast %broadcast_in_dim3A_933 : vector<8x1xf32> to vector<8x8732xf32>
    %select_n3A_935 = arith.select %eq3A_919, %broadcast_in_dim3A_934, %select_n3A_913 : vector<8x8732xi1>, vector<8x8732xf32>
    %broadcast_in_dim3A_936 = vector.shape_cast %slice3A_467 : vector<8x1xf32> to vector<8x1xf32>
    %broadcast_in_dim3A_937 = vector.broadcast %broadcast_in_dim3A_936 : vector<8x1xf32> to vector<8x8732xf32>
    %select_n3A_938 = arith.select %eq3A_919, %broadcast_in_dim3A_937, %select_n3A_916 : vector<8x8732xi1>, vector<8x8732xf32>
    %eq3A_939 = arith.constant 10 : i32
    %eq3A_940 = vector.broadcast %eq3A_939 : i32 to vector<8x8732xi32>
    %eq3A_941 = arith.cmpi eq, %select_n3A_709, %eq3A_940 : vector<8x8732xi32>
    %convert_element_type3A_942 = arith.fptosi %slice3A_518 : vector<8x1xf32> to vector<8x1xi32>
    %add3A_943 = arith.constant 1 : i32
    %add3A_944 = vector.broadcast %add3A_943 : i32 to vector<8x1xi32>
    %add3A_945 = arith.addi %convert_element_type3A_942, %add3A_944 : vector<8x1xi32>
    %broadcast_in_dim3A_946 = vector.shape_cast %add3A_945 : vector<8x1xi32> to vector<8x1xi32>
    %broadcast_in_dim3A_947 = vector.broadcast %broadcast_in_dim3A_946 : vector<8x1xi32> to vector<8x8732xi32>
    %select_n3A_948 = arith.select %eq3A_941, %broadcast_in_dim3A_947, %select_n3A_926 : vector<8x8732xi1>, vector<8x8732xi32>
    %broadcast_in_dim3A_949 = vector.shape_cast %slice3A_514 : vector<8x1xf32> to vector<8x1xf32>
    %broadcast_in_dim3A_950 = vector.broadcast %broadcast_in_dim3A_949 : vector<8x1xf32> to vector<8x8732xf32>
    %select_n3A_951 = arith.select %eq3A_941, %broadcast_in_dim3A_950, %select_n3A_929 : vector<8x8732xi1>, vector<8x8732xf32>
    %broadcast_in_dim3A_952 = vector.shape_cast %slice3A_515 : vector<8x1xf32> to vector<8x1xf32>
    %broadcast_in_dim3A_953 = vector.broadcast %broadcast_in_dim3A_952 : vector<8x1xf32> to vector<8x8732xf32>
    %select_n3A_954 = arith.select %eq3A_941, %broadcast_in_dim3A_953, %select_n3A_932 : vector<8x8732xi1>, vector<8x8732xf32>
    %broadcast_in_dim3A_955 = vector.shape_cast %slice3A_516 : vector<8x1xf32> to vector<8x1xf32>
    %broadcast_in_dim3A_956 = vector.broadcast %broadcast_in_dim3A_955 : vector<8x1xf32> to vector<8x8732xf32>
    %select_n3A_957 = arith.select %eq3A_941, %broadcast_in_dim3A_956, %select_n3A_935 : vector<8x8732xi1>, vector<8x8732xf32>
    %broadcast_in_dim3A_958 = vector.shape_cast %slice3A_517 : vector<8x1xf32> to vector<8x1xf32>
    %broadcast_in_dim3A_959 = vector.broadcast %broadcast_in_dim3A_958 : vector<8x1xf32> to vector<8x8732xf32>
    %select_n3A_960 = arith.select %eq3A_941, %broadcast_in_dim3A_959, %select_n3A_938 : vector<8x8732xi1>, vector<8x8732xf32>
    %eq3A_961 = arith.constant 11 : i32
    %eq3A_962 = vector.broadcast %eq3A_961 : i32 to vector<8x8732xi32>
    %eq3A_963 = arith.cmpi eq, %select_n3A_709, %eq3A_962 : vector<8x8732xi32>
    %convert_element_type3A_964 = arith.fptosi %slice3A_568 : vector<8x1xf32> to vector<8x1xi32>
    %add3A_965 = arith.constant 1 : i32
    %add3A_966 = vector.broadcast %add3A_965 : i32 to vector<8x1xi32>
    %add3A_967 = arith.addi %convert_element_type3A_964, %add3A_966 : vector<8x1xi32>
    %broadcast_in_dim3A_968 = vector.shape_cast %add3A_967 : vector<8x1xi32> to vector<8x1xi32>
    %broadcast_in_dim3A_969 = vector.broadcast %broadcast_in_dim3A_968 : vector<8x1xi32> to vector<8x8732xi32>
    %select_n3A_970 = arith.select %eq3A_963, %broadcast_in_dim3A_969, %select_n3A_948 : vector<8x8732xi1>, vector<8x8732xi32>
    %broadcast_in_dim3A_971 = vector.shape_cast %slice3A_564 : vector<8x1xf32> to vector<8x1xf32>
    %broadcast_in_dim3A_972 = vector.broadcast %broadcast_in_dim3A_971 : vector<8x1xf32> to vector<8x8732xf32>
    %select_n3A_973 = arith.select %eq3A_963, %broadcast_in_dim3A_972, %select_n3A_951 : vector<8x8732xi1>, vector<8x8732xf32>
    %broadcast_in_dim3A_974 = vector.shape_cast %slice3A_565 : vector<8x1xf32> to vector<8x1xf32>
    %broadcast_in_dim3A_975 = vector.broadcast %broadcast_in_dim3A_974 : vector<8x1xf32> to vector<8x8732xf32>
    %select_n3A_976 = arith.select %eq3A_963, %broadcast_in_dim3A_975, %select_n3A_954 : vector<8x8732xi1>, vector<8x8732xf32>
    %broadcast_in_dim3A_977 = vector.shape_cast %slice3A_566 : vector<8x1xf32> to vector<8x1xf32>
    %broadcast_in_dim3A_978 = vector.broadcast %broadcast_in_dim3A_977 : vector<8x1xf32> to vector<8x8732xf32>
    %select_n3A_979 = arith.select %eq3A_963, %broadcast_in_dim3A_978, %select_n3A_957 : vector<8x8732xi1>, vector<8x8732xf32>
    %broadcast_in_dim3A_980 = vector.shape_cast %slice3A_567 : vector<8x1xf32> to vector<8x1xf32>
    %broadcast_in_dim3A_981 = vector.broadcast %broadcast_in_dim3A_980 : vector<8x1xf32> to vector<8x8732xf32>
    %select_n3A_982 = arith.select %eq3A_963, %broadcast_in_dim3A_981, %select_n3A_960 : vector<8x8732xi1>, vector<8x8732xf32>
    %lt3A = arith.constant 5.000000e-01 : f32
    %lt3A_983 = vector.broadcast %lt3A : f32 to vector<8x8732xf32>
    %lt3A_984 = arith.cmpf olt, %select_n3A_706, %lt3A_983 : vector<8x8732xf32>
    %jit3A_985 = arith.constant 0 : i32
    %broadcast_in_dim3A_986 = vector.broadcast %jit3A_985 : i32 to vector<8x8732xi32>
    %select_n3A_987 = arith.select %lt3A_984, %broadcast_in_dim3A_986, %select_n3A_970 : vector<8x8732xi1>, vector<8x8732xi32>
    %gt3A_988 = arith.constant 0 : i32
    %gt3A_989 = vector.broadcast %gt3A_988 : i32 to vector<8x8732xi32>
    %gt3A_990 = arith.cmpi sgt, %select_n3A_987, %gt3A_989 : vector<8x8732xi32>
    %convert_element_type3A_991 = arith.extui %gt3A_990 : vector<8x8732xi1> to vector<8x8732xi32>
    %convert_element_type3A_992 = arith.sitofp %convert_element_type3A_991 : vector<8x8732xi32> to vector<8x8732xf32>
    %add3A_993 = arith.addf %select_n3A_973, %select_n3A_979 : vector<8x8732xf32>
    %mul3A_994 = arith.constant 5.000000e-01 : f32
    %mul3A_995 = vector.broadcast %mul3A_994 : f32 to vector<8x8732xf32>
    %mul3A_996 = arith.mulf %add3A_993, %mul3A_995 : vector<8x8732xf32>
    %sub3A_997 = vector.broadcast %get3A_1 : vector<1x8732xf32> to vector<8x8732xf32>
    %sub3A_998 = arith.subf %mul3A_996, %sub3A_997 : vector<8x8732xf32>
    %mul3A_999 = arith.constant 1.000000e-01 : f32
    %mul3A_1000 = vector.broadcast %mul3A_999 : f32 to vector<1x8732xf32>
    %mul3A_1001 = arith.mulf %mul3A_1000, %get3A_7 : vector<1x8732xf32>
    %div3A_1002 = vector.broadcast %mul3A_1001 : vector<1x8732xf32> to vector<8x8732xf32>
    %div3A_1003 = arith.divf %sub3A_998, %div3A_1002 : vector<8x8732xf32>
    %add3A_1004 = arith.addf %select_n3A_976, %select_n3A_982 : vector<8x8732xf32>
    %mul3A_1005 = arith.constant 5.000000e-01 : f32
    %mul3A_1006 = vector.broadcast %mul3A_1005 : f32 to vector<8x8732xf32>
    %mul3A_1007 = arith.mulf %add3A_1004, %mul3A_1006 : vector<8x8732xf32>
    %sub3A_1008 = vector.broadcast %get3A_4 : vector<1x8732xf32> to vector<8x8732xf32>
    %sub3A_1009 = arith.subf %mul3A_1007, %sub3A_1008 : vector<8x8732xf32>
    %mul3A_1010 = arith.constant 1.000000e-01 : f32
    %mul3A_1011 = vector.broadcast %mul3A_1010 : f32 to vector<1x8732xf32>
    %mul3A_1012 = arith.mulf %mul3A_1011, %get3A_10 : vector<1x8732xf32>
    %div3A_1013 = vector.broadcast %mul3A_1012 : vector<1x8732xf32> to vector<8x8732xf32>
    %div3A_1014 = arith.divf %sub3A_1009, %div3A_1013 : vector<8x8732xf32>
    %sub3A_1015 = arith.subf %select_n3A_979, %select_n3A_973 : vector<8x8732xf32>
    %div3A_1016 = vector.broadcast %get3A_7 : vector<1x8732xf32> to vector<8x8732xf32>
    %div3A_1017 = arith.divf %sub3A_1015, %div3A_1016 : vector<8x8732xf32>
    %log3A = math.log %div3A_1017 : vector<8x8732xf32>
    %div3A_1018 = arith.constant 2.000000e-01 : f32
    %div3A_1019 = vector.broadcast %div3A_1018 : f32 to vector<8x8732xf32>
    %div3A_1020 = arith.divf %log3A, %div3A_1019 : vector<8x8732xf32>
    %sub3A_1021 = arith.subf %select_n3A_982, %select_n3A_976 : vector<8x8732xf32>
    %div3A_1022 = vector.broadcast %get3A_10 : vector<1x8732xf32> to vector<8x8732xf32>
    %div3A_1023 = arith.divf %sub3A_1021, %div3A_1022 : vector<8x8732xf32>
    %log3A_1024 = math.log %div3A_1023 : vector<8x8732xf32>
    %div3A_1025 = arith.constant 2.000000e-01 : f32
    %div3A_1026 = vector.broadcast %div3A_1025 : f32 to vector<8x8732xf32>
    %div3A_1027 = arith.divf %log3A_1024, %div3A_1026 : vector<8x8732xf32>
    %get3A_1028 = arith.constant 0 : index
    %get3A_1029 = arith.constant 0 : index
    %get3A_1030 = arith.constant 0 : index
    %get3A_1031 = vector.load %arg1[%get3A_1028, %get3A_1029, %get3A_1030] : memref<8x4x8732xf32, #tpu.memory_space<vmem>>, vector<8x1x8732xf32>
    %get3A_1032 = vector.shape_cast %get3A_1031 : vector<8x1x8732xf32> to vector<8x8732xf32>
    %sub3A_1033 = arith.subf %get3A_1032, %div3A_1003 : vector<8x8732xf32>
    %abs3A = math.absf %sub3A_1033 : vector<8x8732xf32>
    %lt3A_1034 = arith.constant 1.000000e+00 : f32
    %lt3A_1035 = vector.broadcast %lt3A_1034 : f32 to vector<8x8732xf32>
    %lt3A_1036 = arith.cmpf olt, %abs3A, %lt3A_1035 : vector<8x8732xf32>
    %mul3A_1037 = arith.constant 5.000000e-01 : f32
    %mul3A_1038 = vector.broadcast %mul3A_1037 : f32 to vector<8x8732xf32>
    %mul3A_1039 = arith.mulf %mul3A_1038, %sub3A_1033 : vector<8x8732xf32>
    %mul3A_1040 = arith.mulf %mul3A_1039, %sub3A_1033 : vector<8x8732xf32>
    %sub3A_1041 = arith.constant 5.000000e-01 : f32
    %sub3A_1042 = vector.broadcast %sub3A_1041 : f32 to vector<8x8732xf32>
    %sub3A_1043 = arith.subf %abs3A, %sub3A_1042 : vector<8x8732xf32>
    %select_n3A_1044 = arith.select %lt3A_1036, %mul3A_1040, %sub3A_1043 : vector<8x8732xi1>, vector<8x8732xf32>
    %get3A_1045 = arith.constant 0 : index
    %get3A_1046 = arith.constant 1 : index
    %get3A_1047 = arith.constant 0 : index
    %get3A_1048 = vector.load %arg1[%get3A_1045, %get3A_1046, %get3A_1047] : memref<8x4x8732xf32, #tpu.memory_space<vmem>>, vector<8x1x8732xf32>
    %get3A_1049 = vector.shape_cast %get3A_1048 : vector<8x1x8732xf32> to vector<8x8732xf32>
    %sub3A_1050 = arith.subf %get3A_1049, %div3A_1014 : vector<8x8732xf32>
    %abs3A_1051 = math.absf %sub3A_1050 : vector<8x8732xf32>
    %lt3A_1052 = arith.constant 1.000000e+00 : f32
    %lt3A_1053 = vector.broadcast %lt3A_1052 : f32 to vector<8x8732xf32>
    %lt3A_1054 = arith.cmpf olt, %abs3A_1051, %lt3A_1053 : vector<8x8732xf32>
    %mul3A_1055 = arith.constant 5.000000e-01 : f32
    %mul3A_1056 = vector.broadcast %mul3A_1055 : f32 to vector<8x8732xf32>
    %mul3A_1057 = arith.mulf %mul3A_1056, %sub3A_1050 : vector<8x8732xf32>
    %mul3A_1058 = arith.mulf %mul3A_1057, %sub3A_1050 : vector<8x8732xf32>
    %sub3A_1059 = arith.constant 5.000000e-01 : f32
    %sub3A_1060 = vector.broadcast %sub3A_1059 : f32 to vector<8x8732xf32>
    %sub3A_1061 = arith.subf %abs3A_1051, %sub3A_1060 : vector<8x8732xf32>
    %select_n3A_1062 = arith.select %lt3A_1054, %mul3A_1058, %sub3A_1061 : vector<8x8732xi1>, vector<8x8732xf32>
    %add3A_1063 = arith.addf %select_n3A_1044, %select_n3A_1062 : vector<8x8732xf32>
    %get3A_1064 = arith.constant 0 : index
    %get3A_1065 = arith.constant 2 : index
    %get3A_1066 = arith.constant 0 : index
    %get3A_1067 = vector.load %arg1[%get3A_1064, %get3A_1065, %get3A_1066] : memref<8x4x8732xf32, #tpu.memory_space<vmem>>, vector<8x1x8732xf32>
    %get3A_1068 = vector.shape_cast %get3A_1067 : vector<8x1x8732xf32> to vector<8x8732xf32>
    %sub3A_1069 = arith.subf %get3A_1068, %div3A_1020 : vector<8x8732xf32>
    %abs3A_1070 = math.absf %sub3A_1069 : vector<8x8732xf32>
    %lt3A_1071 = arith.constant 1.000000e+00 : f32
    %lt3A_1072 = vector.broadcast %lt3A_1071 : f32 to vector<8x8732xf32>
    %lt3A_1073 = arith.cmpf olt, %abs3A_1070, %lt3A_1072 : vector<8x8732xf32>
    %mul3A_1074 = arith.constant 5.000000e-01 : f32
    %mul3A_1075 = vector.broadcast %mul3A_1074 : f32 to vector<8x8732xf32>
    %mul3A_1076 = arith.mulf %mul3A_1075, %sub3A_1069 : vector<8x8732xf32>
    %mul3A_1077 = arith.mulf %mul3A_1076, %sub3A_1069 : vector<8x8732xf32>
    %sub3A_1078 = arith.constant 5.000000e-01 : f32
    %sub3A_1079 = vector.broadcast %sub3A_1078 : f32 to vector<8x8732xf32>
    %sub3A_1080 = arith.subf %abs3A_1070, %sub3A_1079 : vector<8x8732xf32>
    %select_n3A_1081 = arith.select %lt3A_1073, %mul3A_1077, %sub3A_1080 : vector<8x8732xi1>, vector<8x8732xf32>
    %add3A_1082 = arith.addf %add3A_1063, %select_n3A_1081 : vector<8x8732xf32>
    %get3A_1083 = arith.constant 0 : index
    %get3A_1084 = arith.constant 3 : index
    %get3A_1085 = arith.constant 0 : index
    %get3A_1086 = vector.load %arg1[%get3A_1083, %get3A_1084, %get3A_1085] : memref<8x4x8732xf32, #tpu.memory_space<vmem>>, vector<8x1x8732xf32>
    %get3A_1087 = vector.shape_cast %get3A_1086 : vector<8x1x8732xf32> to vector<8x8732xf32>
    %sub3A_1088 = arith.subf %get3A_1087, %div3A_1027 : vector<8x8732xf32>
    %abs3A_1089 = math.absf %sub3A_1088 : vector<8x8732xf32>
    %lt3A_1090 = arith.constant 1.000000e+00 : f32
    %lt3A_1091 = vector.broadcast %lt3A_1090 : f32 to vector<8x8732xf32>
    %lt3A_1092 = arith.cmpf olt, %abs3A_1089, %lt3A_1091 : vector<8x8732xf32>
    %mul3A_1093 = arith.constant 5.000000e-01 : f32
    %mul3A_1094 = vector.broadcast %mul3A_1093 : f32 to vector<8x8732xf32>
    %mul3A_1095 = arith.mulf %mul3A_1094, %sub3A_1088 : vector<8x8732xf32>
    %mul3A_1096 = arith.mulf %mul3A_1095, %sub3A_1088 : vector<8x8732xf32>
    %sub3A_1097 = arith.constant 5.000000e-01 : f32
    %sub3A_1098 = vector.broadcast %sub3A_1097 : f32 to vector<8x8732xf32>
    %sub3A_1099 = arith.subf %abs3A_1089, %sub3A_1098 : vector<8x8732xf32>
    %select_n3A_1100 = arith.select %lt3A_1092, %mul3A_1096, %sub3A_1099 : vector<8x8732xi1>, vector<8x8732xf32>
    %add3A_1101 = arith.addf %add3A_1082, %select_n3A_1100 : vector<8x8732xf32>
    %mul3A_1102 = arith.mulf %add3A_1101, %convert_element_type3A_992 : vector<8x8732xf32>
    %reduce_sum3A = vector.shape_cast %mul3A_1102 : vector<8x8732xf32> to vector<1x8x8732xf32>
    %reduce_sum3A_1103 = arith.constant dense<0.000000e+00> : vector<1xf32>
    %reduce_sum3A_1104 = vector.multi_reduction <add>, %reduce_sum3A, %reduce_sum3A_1103 [1, 2] : vector<1x8x8732xf32> to vector<1xf32>
    %reduce_sum3A_1105 = vector.shape_cast %reduce_sum3A_1104 : vector<1xf32> to vector<1x1x1xf32>
    %reduce_sum3A_1106 = vector.extract %reduce_sum3A_1105[0, 0, 0] : f32 from vector<1x1x1xf32>
    %broadcast_in_dim3A_1107 = arith.constant 0.000000e+00 : f32
    %broadcast_in_dim3A_1108 = vector.broadcast %broadcast_in_dim3A_1107 : f32 to vector<8x8732xf32>
    %broadcast_in_dim3A_1109 = arith.constant 0.000000e+00 : f32
    %broadcast_in_dim3A_1110 = vector.broadcast %broadcast_in_dim3A_1109 : f32 to vector<8x8732xf32>
    %get3A_1111 = arith.constant 0 : index
    %get3A_1112 = arith.constant 0 : index
    %get3A_1113 = arith.constant 0 : index
    %get3A_1114 = vector.load %arg2[%get3A_1111, %get3A_1112, %get3A_1113] : memref<8x21x8732xbf16, #tpu.memory_space<vmem>>, vector<8x1x8732xbf16>
    %get3A_1115 = vector.shape_cast %get3A_1114 : vector<8x1x8732xbf16> to vector<8x8732xbf16>
    %convert_element_type3A_1116 = arith.extf %get3A_1115 : vector<8x8732xbf16> to vector<8x8732xf32>
    %exp3A = math.exp %convert_element_type3A_1116 : vector<8x8732xf32>
    %add3A_1117 = arith.addf %broadcast_in_dim3A_1108, %exp3A : vector<8x8732xf32>
    %eq3A_1118 = arith.constant 0 : i32
    %eq3A_1119 = vector.broadcast %eq3A_1118 : i32 to vector<8x8732xi32>
    %eq3A_1120 = arith.cmpi eq, %select_n3A_987, %eq3A_1119 : vector<8x8732xi32>
    %select_n3A_1121 = arith.select %eq3A_1120, %convert_element_type3A_1116, %broadcast_in_dim3A_1110 : vector<8x8732xi1>, vector<8x8732xf32>
    %get3A_1122 = arith.constant 0 : index
    %get3A_1123 = arith.constant 1 : index
    %get3A_1124 = arith.constant 0 : index
    %get3A_1125 = vector.load %arg2[%get3A_1122, %get3A_1123, %get3A_1124] : memref<8x21x8732xbf16, #tpu.memory_space<vmem>>, vector<8x1x8732xbf16>
    %get3A_1126 = vector.shape_cast %get3A_1125 : vector<8x1x8732xbf16> to vector<8x8732xbf16>
    %convert_element_type3A_1127 = arith.extf %get3A_1126 : vector<8x8732xbf16> to vector<8x8732xf32>
    %exp3A_1128 = math.exp %convert_element_type3A_1127 : vector<8x8732xf32>
    %add3A_1129 = arith.addf %add3A_1117, %exp3A_1128 : vector<8x8732xf32>
    %eq3A_1130 = arith.constant 1 : i32
    %eq3A_1131 = vector.broadcast %eq3A_1130 : i32 to vector<8x8732xi32>
    %eq3A_1132 = arith.cmpi eq, %select_n3A_987, %eq3A_1131 : vector<8x8732xi32>
    %select_n3A_1133 = arith.select %eq3A_1132, %convert_element_type3A_1127, %select_n3A_1121 : vector<8x8732xi1>, vector<8x8732xf32>
    %get3A_1134 = arith.constant 0 : index
    %get3A_1135 = arith.constant 2 : index
    %get3A_1136 = arith.constant 0 : index
    %get3A_1137 = vector.load %arg2[%get3A_1134, %get3A_1135, %get3A_1136] : memref<8x21x8732xbf16, #tpu.memory_space<vmem>>, vector<8x1x8732xbf16>
    %get3A_1138 = vector.shape_cast %get3A_1137 : vector<8x1x8732xbf16> to vector<8x8732xbf16>
    %convert_element_type3A_1139 = arith.extf %get3A_1138 : vector<8x8732xbf16> to vector<8x8732xf32>
    %exp3A_1140 = math.exp %convert_element_type3A_1139 : vector<8x8732xf32>
    %add3A_1141 = arith.addf %add3A_1129, %exp3A_1140 : vector<8x8732xf32>
    %eq3A_1142 = arith.constant 2 : i32
    %eq3A_1143 = vector.broadcast %eq3A_1142 : i32 to vector<8x8732xi32>
    %eq3A_1144 = arith.cmpi eq, %select_n3A_987, %eq3A_1143 : vector<8x8732xi32>
    %select_n3A_1145 = arith.select %eq3A_1144, %convert_element_type3A_1139, %select_n3A_1133 : vector<8x8732xi1>, vector<8x8732xf32>
    %get3A_1146 = arith.constant 0 : index
    %get3A_1147 = arith.constant 3 : index
    %get3A_1148 = arith.constant 0 : index
    %get3A_1149 = vector.load %arg2[%get3A_1146, %get3A_1147, %get3A_1148] : memref<8x21x8732xbf16, #tpu.memory_space<vmem>>, vector<8x1x8732xbf16>
    %get3A_1150 = vector.shape_cast %get3A_1149 : vector<8x1x8732xbf16> to vector<8x8732xbf16>
    %convert_element_type3A_1151 = arith.extf %get3A_1150 : vector<8x8732xbf16> to vector<8x8732xf32>
    %exp3A_1152 = math.exp %convert_element_type3A_1151 : vector<8x8732xf32>
    %add3A_1153 = arith.addf %add3A_1141, %exp3A_1152 : vector<8x8732xf32>
    %eq3A_1154 = arith.constant 3 : i32
    %eq3A_1155 = vector.broadcast %eq3A_1154 : i32 to vector<8x8732xi32>
    %eq3A_1156 = arith.cmpi eq, %select_n3A_987, %eq3A_1155 : vector<8x8732xi32>
    %select_n3A_1157 = arith.select %eq3A_1156, %convert_element_type3A_1151, %select_n3A_1145 : vector<8x8732xi1>, vector<8x8732xf32>
    %get3A_1158 = arith.constant 0 : index
    %get3A_1159 = arith.constant 4 : index
    %get3A_1160 = arith.constant 0 : index
    %get3A_1161 = vector.load %arg2[%get3A_1158, %get3A_1159, %get3A_1160] : memref<8x21x8732xbf16, #tpu.memory_space<vmem>>, vector<8x1x8732xbf16>
    %get3A_1162 = vector.shape_cast %get3A_1161 : vector<8x1x8732xbf16> to vector<8x8732xbf16>
    %convert_element_type3A_1163 = arith.extf %get3A_1162 : vector<8x8732xbf16> to vector<8x8732xf32>
    %exp3A_1164 = math.exp %convert_element_type3A_1163 : vector<8x8732xf32>
    %add3A_1165 = arith.addf %add3A_1153, %exp3A_1164 : vector<8x8732xf32>
    %eq3A_1166 = arith.constant 4 : i32
    %eq3A_1167 = vector.broadcast %eq3A_1166 : i32 to vector<8x8732xi32>
    %eq3A_1168 = arith.cmpi eq, %select_n3A_987, %eq3A_1167 : vector<8x8732xi32>
    %select_n3A_1169 = arith.select %eq3A_1168, %convert_element_type3A_1163, %select_n3A_1157 : vector<8x8732xi1>, vector<8x8732xf32>
    %get3A_1170 = arith.constant 0 : index
    %get3A_1171 = arith.constant 5 : index
    %get3A_1172 = arith.constant 0 : index
    %get3A_1173 = vector.load %arg2[%get3A_1170, %get3A_1171, %get3A_1172] : memref<8x21x8732xbf16, #tpu.memory_space<vmem>>, vector<8x1x8732xbf16>
    %get3A_1174 = vector.shape_cast %get3A_1173 : vector<8x1x8732xbf16> to vector<8x8732xbf16>
    %convert_element_type3A_1175 = arith.extf %get3A_1174 : vector<8x8732xbf16> to vector<8x8732xf32>
    %exp3A_1176 = math.exp %convert_element_type3A_1175 : vector<8x8732xf32>
    %add3A_1177 = arith.addf %add3A_1165, %exp3A_1176 : vector<8x8732xf32>
    %eq3A_1178 = arith.constant 5 : i32
    %eq3A_1179 = vector.broadcast %eq3A_1178 : i32 to vector<8x8732xi32>
    %eq3A_1180 = arith.cmpi eq, %select_n3A_987, %eq3A_1179 : vector<8x8732xi32>
    %select_n3A_1181 = arith.select %eq3A_1180, %convert_element_type3A_1175, %select_n3A_1169 : vector<8x8732xi1>, vector<8x8732xf32>
    %get3A_1182 = arith.constant 0 : index
    %get3A_1183 = arith.constant 6 : index
    %get3A_1184 = arith.constant 0 : index
    %get3A_1185 = vector.load %arg2[%get3A_1182, %get3A_1183, %get3A_1184] : memref<8x21x8732xbf16, #tpu.memory_space<vmem>>, vector<8x1x8732xbf16>
    %get3A_1186 = vector.shape_cast %get3A_1185 : vector<8x1x8732xbf16> to vector<8x8732xbf16>
    %convert_element_type3A_1187 = arith.extf %get3A_1186 : vector<8x8732xbf16> to vector<8x8732xf32>
    %exp3A_1188 = math.exp %convert_element_type3A_1187 : vector<8x8732xf32>
    %add3A_1189 = arith.addf %add3A_1177, %exp3A_1188 : vector<8x8732xf32>
    %eq3A_1190 = arith.constant 6 : i32
    %eq3A_1191 = vector.broadcast %eq3A_1190 : i32 to vector<8x8732xi32>
    %eq3A_1192 = arith.cmpi eq, %select_n3A_987, %eq3A_1191 : vector<8x8732xi32>
    %select_n3A_1193 = arith.select %eq3A_1192, %convert_element_type3A_1187, %select_n3A_1181 : vector<8x8732xi1>, vector<8x8732xf32>
    %get3A_1194 = arith.constant 0 : index
    %get3A_1195 = arith.constant 7 : index
    %get3A_1196 = arith.constant 0 : index
    %get3A_1197 = vector.load %arg2[%get3A_1194, %get3A_1195, %get3A_1196] : memref<8x21x8732xbf16, #tpu.memory_space<vmem>>, vector<8x1x8732xbf16>
    %get3A_1198 = vector.shape_cast %get3A_1197 : vector<8x1x8732xbf16> to vector<8x8732xbf16>
    %convert_element_type3A_1199 = arith.extf %get3A_1198 : vector<8x8732xbf16> to vector<8x8732xf32>
    %exp3A_1200 = math.exp %convert_element_type3A_1199 : vector<8x8732xf32>
    %add3A_1201 = arith.addf %add3A_1189, %exp3A_1200 : vector<8x8732xf32>
    %eq3A_1202 = arith.constant 7 : i32
    %eq3A_1203 = vector.broadcast %eq3A_1202 : i32 to vector<8x8732xi32>
    %eq3A_1204 = arith.cmpi eq, %select_n3A_987, %eq3A_1203 : vector<8x8732xi32>
    %select_n3A_1205 = arith.select %eq3A_1204, %convert_element_type3A_1199, %select_n3A_1193 : vector<8x8732xi1>, vector<8x8732xf32>
    %get3A_1206 = arith.constant 0 : index
    %get3A_1207 = arith.constant 8 : index
    %get3A_1208 = arith.constant 0 : index
    %get3A_1209 = vector.load %arg2[%get3A_1206, %get3A_1207, %get3A_1208] : memref<8x21x8732xbf16, #tpu.memory_space<vmem>>, vector<8x1x8732xbf16>
    %get3A_1210 = vector.shape_cast %get3A_1209 : vector<8x1x8732xbf16> to vector<8x8732xbf16>
    %convert_element_type3A_1211 = arith.extf %get3A_1210 : vector<8x8732xbf16> to vector<8x8732xf32>
    %exp3A_1212 = math.exp %convert_element_type3A_1211 : vector<8x8732xf32>
    %add3A_1213 = arith.addf %add3A_1201, %exp3A_1212 : vector<8x8732xf32>
    %eq3A_1214 = arith.constant 8 : i32
    %eq3A_1215 = vector.broadcast %eq3A_1214 : i32 to vector<8x8732xi32>
    %eq3A_1216 = arith.cmpi eq, %select_n3A_987, %eq3A_1215 : vector<8x8732xi32>
    %select_n3A_1217 = arith.select %eq3A_1216, %convert_element_type3A_1211, %select_n3A_1205 : vector<8x8732xi1>, vector<8x8732xf32>
    %get3A_1218 = arith.constant 0 : index
    %get3A_1219 = arith.constant 9 : index
    %get3A_1220 = arith.constant 0 : index
    %get3A_1221 = vector.load %arg2[%get3A_1218, %get3A_1219, %get3A_1220] : memref<8x21x8732xbf16, #tpu.memory_space<vmem>>, vector<8x1x8732xbf16>
    %get3A_1222 = vector.shape_cast %get3A_1221 : vector<8x1x8732xbf16> to vector<8x8732xbf16>
    %convert_element_type3A_1223 = arith.extf %get3A_1222 : vector<8x8732xbf16> to vector<8x8732xf32>
    %exp3A_1224 = math.exp %convert_element_type3A_1223 : vector<8x8732xf32>
    %add3A_1225 = arith.addf %add3A_1213, %exp3A_1224 : vector<8x8732xf32>
    %eq3A_1226 = arith.constant 9 : i32
    %eq3A_1227 = vector.broadcast %eq3A_1226 : i32 to vector<8x8732xi32>
    %eq3A_1228 = arith.cmpi eq, %select_n3A_987, %eq3A_1227 : vector<8x8732xi32>
    %select_n3A_1229 = arith.select %eq3A_1228, %convert_element_type3A_1223, %select_n3A_1217 : vector<8x8732xi1>, vector<8x8732xf32>
    %get3A_1230 = arith.constant 0 : index
    %get3A_1231 = arith.constant 10 : index
    %get3A_1232 = arith.constant 0 : index
    %get3A_1233 = vector.load %arg2[%get3A_1230, %get3A_1231, %get3A_1232] : memref<8x21x8732xbf16, #tpu.memory_space<vmem>>, vector<8x1x8732xbf16>
    %get3A_1234 = vector.shape_cast %get3A_1233 : vector<8x1x8732xbf16> to vector<8x8732xbf16>
    %convert_element_type3A_1235 = arith.extf %get3A_1234 : vector<8x8732xbf16> to vector<8x8732xf32>
    %exp3A_1236 = math.exp %convert_element_type3A_1235 : vector<8x8732xf32>
    %add3A_1237 = arith.addf %add3A_1225, %exp3A_1236 : vector<8x8732xf32>
    %eq3A_1238 = arith.constant 10 : i32
    %eq3A_1239 = vector.broadcast %eq3A_1238 : i32 to vector<8x8732xi32>
    %eq3A_1240 = arith.cmpi eq, %select_n3A_987, %eq3A_1239 : vector<8x8732xi32>
    %select_n3A_1241 = arith.select %eq3A_1240, %convert_element_type3A_1235, %select_n3A_1229 : vector<8x8732xi1>, vector<8x8732xf32>
    %get3A_1242 = arith.constant 0 : index
    %get3A_1243 = arith.constant 11 : index
    %get3A_1244 = arith.constant 0 : index
    %get3A_1245 = vector.load %arg2[%get3A_1242, %get3A_1243, %get3A_1244] : memref<8x21x8732xbf16, #tpu.memory_space<vmem>>, vector<8x1x8732xbf16>
    %get3A_1246 = vector.shape_cast %get3A_1245 : vector<8x1x8732xbf16> to vector<8x8732xbf16>
    %convert_element_type3A_1247 = arith.extf %get3A_1246 : vector<8x8732xbf16> to vector<8x8732xf32>
    %exp3A_1248 = math.exp %convert_element_type3A_1247 : vector<8x8732xf32>
    %add3A_1249 = arith.addf %add3A_1237, %exp3A_1248 : vector<8x8732xf32>
    %eq3A_1250 = arith.constant 11 : i32
    %eq3A_1251 = vector.broadcast %eq3A_1250 : i32 to vector<8x8732xi32>
    %eq3A_1252 = arith.cmpi eq, %select_n3A_987, %eq3A_1251 : vector<8x8732xi32>
    %select_n3A_1253 = arith.select %eq3A_1252, %convert_element_type3A_1247, %select_n3A_1241 : vector<8x8732xi1>, vector<8x8732xf32>
    %get3A_1254 = arith.constant 0 : index
    %get3A_1255 = arith.constant 12 : index
    %get3A_1256 = arith.constant 0 : index
    %get3A_1257 = vector.load %arg2[%get3A_1254, %get3A_1255, %get3A_1256] : memref<8x21x8732xbf16, #tpu.memory_space<vmem>>, vector<8x1x8732xbf16>
    %get3A_1258 = vector.shape_cast %get3A_1257 : vector<8x1x8732xbf16> to vector<8x8732xbf16>
    %convert_element_type3A_1259 = arith.extf %get3A_1258 : vector<8x8732xbf16> to vector<8x8732xf32>
    %exp3A_1260 = math.exp %convert_element_type3A_1259 : vector<8x8732xf32>
    %add3A_1261 = arith.addf %add3A_1249, %exp3A_1260 : vector<8x8732xf32>
    %eq3A_1262 = arith.constant 12 : i32
    %eq3A_1263 = vector.broadcast %eq3A_1262 : i32 to vector<8x8732xi32>
    %eq3A_1264 = arith.cmpi eq, %select_n3A_987, %eq3A_1263 : vector<8x8732xi32>
    %select_n3A_1265 = arith.select %eq3A_1264, %convert_element_type3A_1259, %select_n3A_1253 : vector<8x8732xi1>, vector<8x8732xf32>
    %get3A_1266 = arith.constant 0 : index
    %get3A_1267 = arith.constant 13 : index
    %get3A_1268 = arith.constant 0 : index
    %get3A_1269 = vector.load %arg2[%get3A_1266, %get3A_1267, %get3A_1268] : memref<8x21x8732xbf16, #tpu.memory_space<vmem>>, vector<8x1x8732xbf16>
    %get3A_1270 = vector.shape_cast %get3A_1269 : vector<8x1x8732xbf16> to vector<8x8732xbf16>
    %convert_element_type3A_1271 = arith.extf %get3A_1270 : vector<8x8732xbf16> to vector<8x8732xf32>
    %exp3A_1272 = math.exp %convert_element_type3A_1271 : vector<8x8732xf32>
    %add3A_1273 = arith.addf %add3A_1261, %exp3A_1272 : vector<8x8732xf32>
    %eq3A_1274 = arith.constant 13 : i32
    %eq3A_1275 = vector.broadcast %eq3A_1274 : i32 to vector<8x8732xi32>
    %eq3A_1276 = arith.cmpi eq, %select_n3A_987, %eq3A_1275 : vector<8x8732xi32>
    %select_n3A_1277 = arith.select %eq3A_1276, %convert_element_type3A_1271, %select_n3A_1265 : vector<8x8732xi1>, vector<8x8732xf32>
    %get3A_1278 = arith.constant 0 : index
    %get3A_1279 = arith.constant 14 : index
    %get3A_1280 = arith.constant 0 : index
    %get3A_1281 = vector.load %arg2[%get3A_1278, %get3A_1279, %get3A_1280] : memref<8x21x8732xbf16, #tpu.memory_space<vmem>>, vector<8x1x8732xbf16>
    %get3A_1282 = vector.shape_cast %get3A_1281 : vector<8x1x8732xbf16> to vector<8x8732xbf16>
    %convert_element_type3A_1283 = arith.extf %get3A_1282 : vector<8x8732xbf16> to vector<8x8732xf32>
    %exp3A_1284 = math.exp %convert_element_type3A_1283 : vector<8x8732xf32>
    %add3A_1285 = arith.addf %add3A_1273, %exp3A_1284 : vector<8x8732xf32>
    %eq3A_1286 = arith.constant 14 : i32
    %eq3A_1287 = vector.broadcast %eq3A_1286 : i32 to vector<8x8732xi32>
    %eq3A_1288 = arith.cmpi eq, %select_n3A_987, %eq3A_1287 : vector<8x8732xi32>
    %select_n3A_1289 = arith.select %eq3A_1288, %convert_element_type3A_1283, %select_n3A_1277 : vector<8x8732xi1>, vector<8x8732xf32>
    %get3A_1290 = arith.constant 0 : index
    %get3A_1291 = arith.constant 15 : index
    %get3A_1292 = arith.constant 0 : index
    %get3A_1293 = vector.load %arg2[%get3A_1290, %get3A_1291, %get3A_1292] : memref<8x21x8732xbf16, #tpu.memory_space<vmem>>, vector<8x1x8732xbf16>
    %get3A_1294 = vector.shape_cast %get3A_1293 : vector<8x1x8732xbf16> to vector<8x8732xbf16>
    %convert_element_type3A_1295 = arith.extf %get3A_1294 : vector<8x8732xbf16> to vector<8x8732xf32>
    %exp3A_1296 = math.exp %convert_element_type3A_1295 : vector<8x8732xf32>
    %add3A_1297 = arith.addf %add3A_1285, %exp3A_1296 : vector<8x8732xf32>
    %eq3A_1298 = arith.constant 15 : i32
    %eq3A_1299 = vector.broadcast %eq3A_1298 : i32 to vector<8x8732xi32>
    %eq3A_1300 = arith.cmpi eq, %select_n3A_987, %eq3A_1299 : vector<8x8732xi32>
    %select_n3A_1301 = arith.select %eq3A_1300, %convert_element_type3A_1295, %select_n3A_1289 : vector<8x8732xi1>, vector<8x8732xf32>
    %get3A_1302 = arith.constant 0 : index
    %get3A_1303 = arith.constant 16 : index
    %get3A_1304 = arith.constant 0 : index
    %get3A_1305 = vector.load %arg2[%get3A_1302, %get3A_1303, %get3A_1304] : memref<8x21x8732xbf16, #tpu.memory_space<vmem>>, vector<8x1x8732xbf16>
    %get3A_1306 = vector.shape_cast %get3A_1305 : vector<8x1x8732xbf16> to vector<8x8732xbf16>
    %convert_element_type3A_1307 = arith.extf %get3A_1306 : vector<8x8732xbf16> to vector<8x8732xf32>
    %exp3A_1308 = math.exp %convert_element_type3A_1307 : vector<8x8732xf32>
    %add3A_1309 = arith.addf %add3A_1297, %exp3A_1308 : vector<8x8732xf32>
    %eq3A_1310 = arith.constant 16 : i32
    %eq3A_1311 = vector.broadcast %eq3A_1310 : i32 to vector<8x8732xi32>
    %eq3A_1312 = arith.cmpi eq, %select_n3A_987, %eq3A_1311 : vector<8x8732xi32>
    %select_n3A_1313 = arith.select %eq3A_1312, %convert_element_type3A_1307, %select_n3A_1301 : vector<8x8732xi1>, vector<8x8732xf32>
    %get3A_1314 = arith.constant 0 : index
    %get3A_1315 = arith.constant 17 : index
    %get3A_1316 = arith.constant 0 : index
    %get3A_1317 = vector.load %arg2[%get3A_1314, %get3A_1315, %get3A_1316] : memref<8x21x8732xbf16, #tpu.memory_space<vmem>>, vector<8x1x8732xbf16>
    %get3A_1318 = vector.shape_cast %get3A_1317 : vector<8x1x8732xbf16> to vector<8x8732xbf16>
    %convert_element_type3A_1319 = arith.extf %get3A_1318 : vector<8x8732xbf16> to vector<8x8732xf32>
    %exp3A_1320 = math.exp %convert_element_type3A_1319 : vector<8x8732xf32>
    %add3A_1321 = arith.addf %add3A_1309, %exp3A_1320 : vector<8x8732xf32>
    %eq3A_1322 = arith.constant 17 : i32
    %eq3A_1323 = vector.broadcast %eq3A_1322 : i32 to vector<8x8732xi32>
    %eq3A_1324 = arith.cmpi eq, %select_n3A_987, %eq3A_1323 : vector<8x8732xi32>
    %select_n3A_1325 = arith.select %eq3A_1324, %convert_element_type3A_1319, %select_n3A_1313 : vector<8x8732xi1>, vector<8x8732xf32>
    %get3A_1326 = arith.constant 0 : index
    %get3A_1327 = arith.constant 18 : index
    %get3A_1328 = arith.constant 0 : index
    %get3A_1329 = vector.load %arg2[%get3A_1326, %get3A_1327, %get3A_1328] : memref<8x21x8732xbf16, #tpu.memory_space<vmem>>, vector<8x1x8732xbf16>
    %get3A_1330 = vector.shape_cast %get3A_1329 : vector<8x1x8732xbf16> to vector<8x8732xbf16>
    %convert_element_type3A_1331 = arith.extf %get3A_1330 : vector<8x8732xbf16> to vector<8x8732xf32>
    %exp3A_1332 = math.exp %convert_element_type3A_1331 : vector<8x8732xf32>
    %add3A_1333 = arith.addf %add3A_1321, %exp3A_1332 : vector<8x8732xf32>
    %eq3A_1334 = arith.constant 18 : i32
    %eq3A_1335 = vector.broadcast %eq3A_1334 : i32 to vector<8x8732xi32>
    %eq3A_1336 = arith.cmpi eq, %select_n3A_987, %eq3A_1335 : vector<8x8732xi32>
    %select_n3A_1337 = arith.select %eq3A_1336, %convert_element_type3A_1331, %select_n3A_1325 : vector<8x8732xi1>, vector<8x8732xf32>
    %get3A_1338 = arith.constant 0 : index
    %get3A_1339 = arith.constant 19 : index
    %get3A_1340 = arith.constant 0 : index
    %get3A_1341 = vector.load %arg2[%get3A_1338, %get3A_1339, %get3A_1340] : memref<8x21x8732xbf16, #tpu.memory_space<vmem>>, vector<8x1x8732xbf16>
    %get3A_1342 = vector.shape_cast %get3A_1341 : vector<8x1x8732xbf16> to vector<8x8732xbf16>
    %convert_element_type3A_1343 = arith.extf %get3A_1342 : vector<8x8732xbf16> to vector<8x8732xf32>
    %exp3A_1344 = math.exp %convert_element_type3A_1343 : vector<8x8732xf32>
    %add3A_1345 = arith.addf %add3A_1333, %exp3A_1344 : vector<8x8732xf32>
    %eq3A_1346 = arith.constant 19 : i32
    %eq3A_1347 = vector.broadcast %eq3A_1346 : i32 to vector<8x8732xi32>
    %eq3A_1348 = arith.cmpi eq, %select_n3A_987, %eq3A_1347 : vector<8x8732xi32>
    %select_n3A_1349 = arith.select %eq3A_1348, %convert_element_type3A_1343, %select_n3A_1337 : vector<8x8732xi1>, vector<8x8732xf32>
    %get3A_1350 = arith.constant 0 : index
    %get3A_1351 = arith.constant 20 : index
    %get3A_1352 = arith.constant 0 : index
    %get3A_1353 = vector.load %arg2[%get3A_1350, %get3A_1351, %get3A_1352] : memref<8x21x8732xbf16, #tpu.memory_space<vmem>>, vector<8x1x8732xbf16>
    %get3A_1354 = vector.shape_cast %get3A_1353 : vector<8x1x8732xbf16> to vector<8x8732xbf16>
    %convert_element_type3A_1355 = arith.extf %get3A_1354 : vector<8x8732xbf16> to vector<8x8732xf32>
    %exp3A_1356 = math.exp %convert_element_type3A_1355 : vector<8x8732xf32>
    %add3A_1357 = arith.addf %add3A_1345, %exp3A_1356 : vector<8x8732xf32>
    %eq3A_1358 = arith.constant 20 : i32
    %eq3A_1359 = vector.broadcast %eq3A_1358 : i32 to vector<8x8732xi32>
    %eq3A_1360 = arith.cmpi eq, %select_n3A_987, %eq3A_1359 : vector<8x8732xi32>
    %select_n3A_1361 = arith.select %eq3A_1360, %convert_element_type3A_1355, %select_n3A_1349 : vector<8x8732xi1>, vector<8x8732xf32>
    %log3A_1362 = math.log %add3A_1357 : vector<8x8732xf32>
    %sub3A_1363 = arith.subf %log3A_1362, %select_n3A_1361 : vector<8x8732xf32>
    %mul3A_1364 = arith.mulf %sub3A_1363, %convert_element_type3A_992 : vector<8x8732xf32>
    %reduce_sum3A_1365 = vector.shape_cast %mul3A_1364 : vector<8x8732xf32> to vector<1x8x8732xf32>
    %reduce_sum3A_1366 = arith.constant dense<0.000000e+00> : vector<1xf32>
    %reduce_sum3A_1367 = vector.multi_reduction <add>, %reduce_sum3A_1365, %reduce_sum3A_1366 [1, 2] : vector<1x8x8732xf32> to vector<1xf32>
    %reduce_sum3A_1368 = vector.shape_cast %reduce_sum3A_1367 : vector<1xf32> to vector<1x1x1xf32>
    %reduce_sum3A_1369 = vector.extract %reduce_sum3A_1368[0, 0, 0] : f32 from vector<1x1x1xf32>
    %reduce_sum3A_1370 = arith.constant dense<0.000000e+00> : vector<8xf32>
    %reduce_sum3A_1371 = vector.multi_reduction <add>, %convert_element_type3A_992, %reduce_sum3A_1370 [1] : vector<8x8732xf32> to vector<8xf32>
    %broadcast_in_dim3A_1372 = vector.shape_cast %reduce_sum3A_1371 : vector<8xf32> to vector<8x1xf32>
    %jit3A_1373 = arith.constant 0.000000e+00 : f32
    %broadcast_in_dim3A_1374 = vector.broadcast %jit3A_1373 : f32 to vector<8x8732xf32>
    %select_n3A_1375 = arith.select %gt3A_990, %broadcast_in_dim3A_1374, %sub3A_1363 : vector<8x8732xi1>, vector<8x8732xf32>
    %max3A_1376 = arith.constant 0.000000e+00 : f32
    %max3A_1377 = vector.broadcast %max3A_1376 : f32 to vector<8x8732xf32>
    %max3A_1378 = arith.maximumf %select_n3A_1375, %max3A_1377 : vector<8x8732xf32>
    %jit3A_1379 = arith.constant 0 : i32
    %convert_element_type3A_1380 = arith.sitofp %jit3A_1379 : i32 to f32
    %pad3A = vector.broadcast %convert_element_type3A_1380 : f32 to vector<8x4xf32>
    %pad3A_1381 = tpu.concatenate %max3A_1378, %pad3A in 1 : vector<8x8732xf32>, vector<8x4xf32> -> vector<8x8736xf32>
    %swap3A = arith.constant 0 : index
    %swap3A_1382 = arith.constant 0 : index
    %swap3A_1383 = vector.load %arg6[%swap3A, %swap3A_1382] : memref<8x8736xf32, #tpu.memory_space<vmem>>, vector<8x8736xf32>
    tpu.vector_store %arg6[%swap3A, %swap3A_1382], %pad3A_1381 {strides = array<i32>} : memref<8x8736xf32, #tpu.memory_space<vmem>>, vector<8x8736xf32>,
    %convert_element_type3A_1384 = arith.fptosi %broadcast_in_dim3A_1372 : vector<8x1xf32> to vector<8x1xi32>
    %mul3A_1385 = arith.constant 3 : i32
    %mul3A_1386 = vector.broadcast %mul3A_1385 : i32 to vector<8x1xi32>
    %mul3A_1387 = arith.muli %convert_element_type3A_1384, %mul3A_1386 : vector<8x1xi32>
    %min3A_1388 = arith.constant 8731 : i32
    %min3A_1389 = vector.broadcast %min3A_1388 : i32 to vector<8x1xi32>
    %min3A_1390 = arith.minsi %mul3A_1387, %min3A_1389 : vector<8x1xi32>
    %broadcast_in_dim3A_1391 = vector.shape_cast %min3A_1390 : vector<8x1xi32> to vector<8x1xi32>
    %broadcast_in_dim3A_1392 = vector.broadcast %broadcast_in_dim3A_1391 : vector<8x1xi32> to vector<8x16xi32>
    %swap3A_1393 = arith.constant 0 : index
    %swap3A_1394 = arith.constant 0 : index
    %swap3A_1395 = vector.load %arg7[%swap3A_1393, %swap3A_1394] : memref<8x16xi32, #tpu.memory_space<vmem>>, vector<8x16xi32>
    tpu.vector_store %arg7[%swap3A_1393, %swap3A_1394], %broadcast_in_dim3A_1392 {strides = array<i32>} : memref<8x16xi32, #tpu.memory_space<vmem>>, vector<8x16xi32>,
    %broadcast_in_dim3A_1396 = vector.broadcast %reduce_sum3A_1106 : f32 to vector<1x1xf32>
    %broadcast_in_dim3A_1397 = vector.broadcast %reduce_sum3A_1369 : f32 to vector<1x1xf32>
    %reduce_sum3A_1398 = vector.shape_cast %broadcast_in_dim3A_1372 : vector<8x1xf32> to vector<1x8x1xf32>
    %reduce_sum3A_1399 = arith.constant dense<0.000000e+00> : vector<1xf32>
    %reduce_sum3A_1400 = vector.multi_reduction <add>, %reduce_sum3A_1398, %reduce_sum3A_1399 [1, 2] : vector<1x8x1xf32> to vector<1xf32>
    %reduce_sum3A_1401 = vector.shape_cast %reduce_sum3A_1400 : vector<1xf32> to vector<1x1x1xf32>
    %reduce_sum3A_1402 = vector.extract %reduce_sum3A_1401[0, 0, 0] : f32 from vector<1x1x1xf32>
    %broadcast_in_dim3A_1403 = vector.broadcast %reduce_sum3A_1402 : f32 to vector<1x1xf32>
    %broadcast_in_dim3A_1404 = arith.constant 0.000000e+00 : f32
    %broadcast_in_dim3A_1405 = vector.broadcast %broadcast_in_dim3A_1404 : f32 to vector<1x1xf32>
    %concatenate3A = tpu.concatenate %broadcast_in_dim3A_1396, %broadcast_in_dim3A_1397, %broadcast_in_dim3A_1403, %broadcast_in_dim3A_1405 in 1 : vector<1x1xf32>, vector<1x1xf32>, vector<1x1xf32>, vector<1x1xf32> -> vector<1x4xf32>
    %eq3A_1406 = arith.constant 0 : i32
    %eq3A_1407 = arith.cmpi eq, %arg0, %eq3A_1406 : i32
    %convert_element_type3A_1408 = arith.extui %eq3A_1407 : i1 to i32
    %cond3A = arith.constant 0 : i32
    %cond3A_1409 = arith.cmpi ne, %convert_element_type3A_1408, %cond3A : i32
    scf.if %cond3A_1409 {
      %broadcast_in_dim3A_1417 = arith.constant 0.000000e+00 : f32
      %broadcast_in_dim3A_1418 = vector.broadcast %broadcast_in_dim3A_1417 : f32 to vector<1x4xf32>
      %swap3A_1419 = arith.constant 0 : index
      %swap3A_1420 = arith.constant 0 : index
      %swap3A_1421 = vector.load %arg5[%swap3A_1419, %swap3A_1420] : memref<1x4xf32, #tpu.memory_space<vmem>>, vector<1x4xf32>
      tpu.vector_store %arg5[%swap3A_1419, %swap3A_1420], %broadcast_in_dim3A_1418 {strides = array<i32>} : memref<1x4xf32, #tpu.memory_space<vmem>>, vector<1x4xf32>,
    } else {
    }
    %get3A_1410 = arith.constant 0 : index
    %get3A_1411 = arith.constant 0 : index
    %get3A_1412 = vector.load %arg5[%get3A_1410, %get3A_1411] : memref<1x4xf32, #tpu.memory_space<vmem>>, vector<1x4xf32>
    %add3A_1413 = arith.addf %get3A_1412, %concatenate3A : vector<1x4xf32>
    %swap3A_1414 = arith.constant 0 : index
    %swap3A_1415 = arith.constant 0 : index
    %swap3A_1416 = vector.load %arg5[%swap3A_1414, %swap3A_1415] : memref<1x4xf32, #tpu.memory_space<vmem>>, vector<1x4xf32>
    tpu.vector_store %arg5[%swap3A_1414, %swap3A_1415], %add3A_1413 {strides = array<i32>} : memref<1x4xf32, #tpu.memory_space<vmem>>, vector<1x4xf32>,
    return
  }
  func.func @transform_0(%arg0: i32) -> (i32, i32, i32) {
    %c0_i32 = arith.constant 0 : i32
    %c0_i32_0 = arith.constant 0 : i32
    %c0_i32_1 = arith.constant 0 : i32
    return %arg0, %c0_i32, %c0_i32_0 : i32, i32, i32
  }
  func.func @transform_1(%arg0: i32) -> (i32, i32, i32) {
    %c0_i32 = arith.constant 0 : i32
    %c0_i32_0 = arith.constant 0 : i32
    %c0_i32_1 = arith.constant 0 : i32
    return %arg0, %c0_i32, %c0_i32_0 : i32, i32, i32
  }
  func.func @transform_2(%arg0: i32) -> (i32, i32) {
    %c0_i32 = arith.constant 0 : i32
    %c0_i32_0 = arith.constant 0 : i32
    %c0_i32_1 = arith.constant 0 : i32
    return %c0_i32, %c0_i32_0 : i32, i32
  }
  func.func @transform_3(%arg0: i32) -> (i32, i32) {
    %c0_i32 = arith.constant 0 : i32
    %c0_i32_0 = arith.constant 0 : i32
    return %arg0, %c0_i32 : i32, i32
  }
  func.func @transform_4(%arg0: i32) -> (i32, i32) {
    %c0_i32 = arith.constant 0 : i32
    %c0_i32_0 = arith.constant 0 : i32
    %c0_i32_1 = arith.constant 0 : i32
    return %c0_i32, %c0_i32_0 : i32, i32
  }
  func.func @transform_5(%arg0: i32) -> (i32, i32) {
    %c0_i32 = arith.constant 0 : i32
    %c0_i32_0 = arith.constant 0 : i32
    return %arg0, %c0_i32 : i32, i32
  }
  func.func @transform_6(%arg0: i32) -> (i32, i32) {
    %c0_i32 = arith.constant 0 : i32
    %c0_i32_0 = arith.constant 0 : i32
    return %arg0, %c0_i32 : i32, i32
  }
}

module attributes {stable_mosaic.version = 14 : i64} {
  func.func @_finish_body(%arg0: memref<1x4xf32, #tpu.memory_space<vmem>>, %arg1: memref<32x16xf32, #tpu.memory_space<vmem>>, %arg2: memref<1x2xf32, #tpu.memory_space<vmem>>) attributes {dimension_semantics = [], scalar_prefetch = 0 : i64, scratch_operands = 0 : i64, tpu.core_type = #tpu.core_type<tc>} {
    %get3A = arith.constant 0 : index
    %get3A_0 = arith.constant 0 : index
    %get3A_1 = vector.load %arg0[%get3A, %get3A_0] : memref<1x4xf32, #tpu.memory_space<vmem>>, vector<1x4xf32>
    %get3A_2 = arith.constant 0 : index
    %get3A_3 = arith.constant 0 : index
    %get3A_4 = vector.load %arg1[%get3A_2, %get3A_3] : memref<32x16xf32, #tpu.memory_space<vmem>>, vector<32x16xf32>
    %slice3A = vector.extract_strided_slice %get3A_4 {offsets = [0, 0], sizes = [32, 1], strides = [1, 1]} : vector<32x16xf32> to vector<32x1xf32>
    %reduce_sum3A = vector.shape_cast %slice3A : vector<32x1xf32> to vector<1x32x1xf32>
    %reduce_sum3A_5 = arith.constant dense<0.000000e+00> : vector<1xf32>
    %reduce_sum3A_6 = vector.multi_reduction <add>, %reduce_sum3A, %reduce_sum3A_5 [1, 2] : vector<1x32x1xf32> to vector<1xf32>
    %reduce_sum3A_7 = vector.shape_cast %reduce_sum3A_6 : vector<1xf32> to vector<1x1x1xf32>
    %reduce_sum3A_8 = vector.extract %reduce_sum3A_7[0, 0, 0] : f32 from vector<1x1x1xf32>
    %slice3A_9 = vector.extract_strided_slice %get3A_1 {offsets = [0, 2], sizes = [1, 1], strides = [1, 1]} : vector<1x4xf32> to vector<1x1xf32>
    %slice3A_10 = vector.extract_strided_slice %get3A_1 {offsets = [0, 0], sizes = [1, 1], strides = [1, 1]} : vector<1x4xf32> to vector<1x1xf32>
    %div3A = arith.divf %slice3A_10, %slice3A_9 : vector<1x1xf32>
    %slice3A_11 = vector.extract_strided_slice %get3A_1 {offsets = [0, 1], sizes = [1, 1], strides = [1, 1]} : vector<1x4xf32> to vector<1x1xf32>
    %add3A = vector.broadcast %reduce_sum3A_8 : f32 to vector<1x1xf32>
    %add3A_12 = arith.addf %slice3A_11, %add3A : vector<1x1xf32>
    %div3A_13 = arith.divf %add3A_12, %slice3A_9 : vector<1x1xf32>
    %concatenate3A = tpu.concatenate %div3A, %div3A_13 in 1 : vector<1x1xf32>, vector<1x1xf32> -> vector<1x2xf32>
    %swap3A = arith.constant 0 : index
    %swap3A_14 = arith.constant 0 : index
    %swap3A_15 = vector.load %arg2[%swap3A, %swap3A_14] : memref<1x2xf32, #tpu.memory_space<vmem>>, vector<1x2xf32>
    tpu.vector_store %arg2[%swap3A, %swap3A_14], %concatenate3A {strides = array<i32>} : memref<1x2xf32, #tpu.memory_space<vmem>>, vector<1x2xf32>,
    return
  }
}

</mosaic_0001>

<sc_bundles>
// kernel: kernel.5.cloned.1.call-start
scs
__scs_entry_jumppad:
0x0: {  	(pc) =	sbr.rel $0x88, $3  }
0x1: {  	(tag) =	ssettag $0x0;
	lr =	simm.s32 $0x1  }
0x2: {  	[smem:$0x3F9D] =	sst lr;
	_ =	strace $0xD0000000  }
0x3: {  	_ = 	snop  }
0x4: {  	_ = 	snop  }
0x5: {  	_ = 	snop  }
0x6: {  	_ = 	snop  }
0x7: {  	_ = 	snop  }
__scs_overlays_trampoline_lowered:
0x8: {  	[smem:$0x3FAC] =	sst s0  }
0x9: {  	[smem:$0x3FAD] =	sst s1  }
0xa: {  	[smem:$0x3FAE] =	sst s2  }
0xb: {  	[smem:$0x3FAF] =	sst s3  }
0xc: {  	[smem:$0x3FB0] =	sst s4  }
0xd: {  	[smem:$0x3FB1] =	sst s5  }
0xe: {  	[smem:$0x3FB2] =	sst s6  }
0xf: {  	[smem:$0x3FB3] =	sst s7  }
0x10: {  	[smem:$0x3FB4] =	sst s8  }
0x11: {  	[smem:$0x3FB5] =	sst s9;
	s0 =	simm.s32 @!p0 $0x0  }
0x12: {  	s1 =	sld [smem:$0x3F9B];
	s0 =	simm.s32 @p0 $0x1  }
0x13: {  	[smem:$0x3FB6] =	sst s0;
	s0 =	simm.s32 @!p1 $0x0  }
0x14: {  	s2 =	sld [smem:$0x3F9A];
	s0 =	simm.s32 @p1 $0x1  }
0x15: {  	[smem:$0x3FB7] =	sst s0;
	s0 =	simm.s32 @!p2 $0x0  }
0x16: {  	s3 =	sld [smem:$0x3FDB];
	s0 =	simm.s32 @p2 $0x1  }
0x17: {  	s4 =	simm.s32 $0x1BF5;
	[smem:$0x3FB9] =	sst s0  }
0x18: {  	s0 =	sld [smem:$0x3F9C];
	_ =	swait.ge [sflag:s4], $0x0  }
0x19: {  	s7 =	sld [smem:$0x3F9D]  }
0x1a: {  	s8 =	sadd.s32 $0xFFFFE003, lr  }
0x1b: {  	s9 =	sadd.s32 $0xFFFFFEF7, lr;
	s5 =	simm.s32 $0xFFFFFFFF;
	p2 =	slt.u32 s8, $0xFFFFF086  }
0x1c: {  	p1 =	slt.u32 s9, $0xF7A;
	s5 =	simm.s32 @!p2 $0x0  }
0x1d: {  	s5 =	simm.s32 @p1 $0x1;
	p0 =	seq.s32 s7, s2  }
0x1e: {  	s7 =	smul.u32 @!p0 $0xF7A, s2;
	p2 =	seq.s32 @!p0 s5, $0x0  }
0x1f: {  	s9 =	smul.u32 $0xF7A, s1;
	s8 =	simm.s32 @!p0 $0x1BF5;
	p2 =	por !p2, p0  }
0x20: {  	[sflag:s8] =	ssyncset.s32 @!p0 $0xFFFFF086;
	s6 =	sadd.s32 @!p0 s3, s7;
	s7 =	simm.s32 @!p0 $0x108  }
0x21: {  	s3 =	sadd.s32 s3, s9;
	s6 =	sadd.s32 @!p0 $0x88, s6;
	s7 =	simm.s32 @p2 $0x1082  }
0x22: {  	[simem:s7], [sflag:s8] =	dma.local @!p0 [hbm:s6], $0xF7A  }
0x23: {  	s9 =	sor.u32 $0xD0000000, s2;
	s6 =	simm.s32 $0x108;
	_ =	swait.ge @!p0 [sflag:s8], $0x0  }
0x24: {  	s3 =	sadd.s32 $0x88, s3;
	s6 =	simm.s32 @!p1 $0x1082;
	[sflag:s4] =	ssyncset.s32 $0xFFFFF086  }
0x25: {  	[simem:s6], [sflag:s4] =	dma.local [hbm:s3], $0xF7A  }
0x26: {  	[smem:$0x3F9D] =	sst s1;
	(tag) =	ssettag s2;
	_ =	strace s9  }
0x27: {  	s1 =	sld [smem:$0x3FAD]  }
0x28: {  	s2 =	sld [smem:$0x3FAE]  }
0x29: {  	s4 =	sld [smem:$0x3FB0]  }
0x2a: {  	p0 =	seq.s32 s5, $0x0;
	s5 =	sld [smem:$0x3FB1]  }
0x2b: {  	s6 =	sld [smem:$0x3FB2]  }
0x2c: {  	s7 =	sld [smem:$0x3FB3]  }
0x2d: {  	s3 =	simm.s32 $0x108;
	s8 =	sld [smem:$0x3FB4]  }
0x2e: {  	s3 =	simm.s32 @!p0 $0x1082;
	s9 =	sld [smem:$0x3FB5]  }
0x2f: {  	lr =	sadd.s32 s0, s3;
	s0 =	sld [smem:$0x3FAC]  }
0x30: {  	s3 =	sld [smem:$0x3FAF]  }
0x31: {  	[smem:$0x3FB8] =	sst s10  }
0x32: {  	s10 =	sld [smem:$0x3FB6];
	_ =	sdelay $0x3  }
0x33: {  	p0 =	seq.s32 s10, $0x1;
	s10 =	sld [smem:$0x3FB8];
	_ =	sdelay $0x3  }
0x34: {  	[smem:$0x3FB8] =	sst s10  }
0x35: {  	s10 =	sld [smem:$0x3FB7];
	_ =	sdelay $0x3  }
0x36: {  	p1 =	seq.s32 s10, $0x1;
	s10 =	sld [smem:$0x3FB8];
	_ =	sdelay $0x3  }
0x37: {  	[smem:$0x3FB8] =	sst s10  }
0x38: {  	s10 =	sld [smem:$0x3FB9]  }
0x39: {  	_ = 	snop;
	(pc) =	sbr.ind lr, $3  }
0x3a: {  	_ = 	snop  }
0x3b: {  	_ = 	snop  }
0x3c: {  	p2 =	seq.s32 s10, $0x1;
	s10 =	sld [smem:$0x3FB8]  }
0x3d: {  	_ =	shalt  }
0x3e: {  	_ =	shalt  }
0x3f: {  	_ =	shalt  }
0x40: {  	_ =	shalt  }
0x41: {  	_ =	shalt  }
0x42: {  	_ =	shalt  }
0x43: {  	_ =	shalt  }
0x44: {  	_ =	shalt  }
0x45: {  	_ =	shalt  }
0x46: {  	_ =	shalt  }
0x47: {  	_ =	shalt  }
0x48: {  	_ =	shalt  }
0x49: {  	_ =	shalt  }
0x4a: {  	_ =	shalt  }
0x4b: {  	_ =	shalt  }
0x4c: {  	_ =	shalt  }
0x4d: {  	_ =	shalt  }
0x4e: {  	_ =	shalt  }
0x4f: {  	_ =	shalt  }
0x50: {  	_ =	shalt  }
0x51: {  	_ =	shalt  }
0x52: {  	_ =	shalt  }
0x53: {  	_ =	shalt  }
0x54: {  	_ =	shalt  }
0x55: {  	_ =	shalt  }
0x56: {  	_ =	shalt  }
0x57: {  	_ =	shalt  }
0x58: {  	_ =	shalt  }
0x59: {  	_ =	shalt  }
0x5a: {  	_ =	shalt  }
0x5b: {  	_ =	shalt  }
0x5c: {  	_ =	shalt  }
0x5d: {  	_ =	shalt  }
0x5e: {  	_ =	shalt  }
0x5f: {  	_ =	shalt  }
0x60: {  	_ =	shalt  }
0x61: {  	_ =	shalt  }
0x62: {  	_ =	shalt  }
0x63: {  	_ =	shalt  }
0x64: {  	_ =	shalt  }
0x65: {  	_ =	shalt  }
0x66: {  	_ =	shalt  }
0x67: {  	_ =	shalt  }
0x68: {  	_ =	shalt  }
0x69: {  	_ =	shalt  }
0x6a: {  	_ =	shalt  }
0x6b: {  	_ =	shalt  }
0x6c: {  	_ =	shalt  }
0x6d: {  	_ =	shalt  }
0x6e: {  	_ =	shalt  }
0x6f: {  	_ =	shalt  }
0x70: {  	_ =	shalt  }
0x71: {  	_ =	shalt  }
0x72: {  	_ =	shalt  }
0x73: {  	_ =	shalt  }
0x74: {  	_ =	shalt  }
0x75: {  	_ =	shalt  }
0x76: {  	_ =	shalt  }
0x77: {  	_ =	shalt  }
0x78: {  	_ =	shalt  }
0x79: {  	_ =	shalt  }
0x7a: {  	_ =	shalt  }
0x7b: {  	_ =	shalt  }
0x7c: {  	_ =	shalt  }
0x7d: {  	_ =	shalt  }
0x7e: {  	_ =	shalt  }
0x7f: {  	_ =	shalt  }
0x80: {  	_ =	shalt  }
0x81: {  	_ =	shalt  }
0x82: {  	_ =	shalt  }
0x83: {  	_ =	shalt  }
0x84: {  	_ =	shalt  }
0x85: {  	_ =	shalt  }
0x86: {  	_ =	shalt  }
0x87: {  	_ =	shalt  }
.Lfunc_end0:
.L_simem_size_0:
called_computation_lowered:
.L_overlay_start_0:
0x88: {  	s2 =	sld [smem:$0x3FD9]  }
0x89: {  	s3 =	sld [smem:$0x3FFE];
	_ =	sdelay $0x1  }
0x8a: {  	s1 =	srdreg.scid  }
0x8b: {  	s0 =	sand.u32 $0x1, s1  }
0x8c: {  	s16 =	sshll.u32 s0, $0xA;
	s2 =	sadd.s32 s3, s2  }
0x8d: {  	s2 =	sadd.s32 s2, s16  }
0x8e: {  	[smem:$0x3FC4] =	sst s2  }
0x8f: {  	_ = 	snop  }
0x90: {  	(tm) =	ssettm $0x1  }
0x91: {  	s17 =	sld [smem:$0x3FFB];
	_ =	sdelay $0x3  }
0x92: {  	_ =	strace s17  }
0x93: {  	s2 =	sld [smem:$0x3FFC];
	_ =	sdelay $0x3  }
0x94: {  	_ =	strace s2  }
0x95: {  	s2 =	sld [smem:$0x3FFD];
	_ =	sdelay $0x3  }
0x96: {  	_ =	strace s2  }
0x97: {  	_ =	strace $0x8FFFFFFF  }
0x98: {  	s18 =	sld [smem:$0x3FDB];
	_ =	sdelay $0x1  }
0x99: {  	s19 =	simm.s32 $_scs_section_size  }
0x9a: {  	s4 =	simm.s32 $_size__tile_overlayer_lowered;
	s5 =	simm.s32 $_tile_overlayer_lowered  }
0x9b: {  	s22 =	simm.s32 $0x1BFF;
	s21 =	sshll.u32 s5, $0x1;
	s2 =	sadd.s32 s19, s18  }
0x9c: {  	s6 =	simm.s32 $0x0;
	s20 =	sshll.u32 s4, $0x1;
	s4 =	sadd.s32 s21, s2  }
0x9d: {  	[timem:s6], [sflag:s22] =	dma.local [hbm:s4], s20  }
0x9e: {  	_ =	swait.ge [sflag:s22], s20  }
0x9f: {  	s3 =	ssub.s32 $0x0, s20;
	[sflag:s22] =	ssyncset.done $0x0  }
0xa0: {  	[sflag:s22] =	ssyncadd.s32 s3;
	_ =	sdelay $0x1  }
0xa1: {  	s23 =	simm.s32 $0x1B8B  }
0xa2: {  	_ =	swait.ge [sflag:s23], $0x1  }
0xa3: {  	[sflag:s23] =	ssyncset.done $0x0  }
0xa4: {  	s25 =	simm.s32 $0x1B8E;
	s24 =	sld [smem:$0x3FFE];
	[sflag:s23] =	ssyncadd.s32 $0xFFFFFFFF  }
0xa5: {  	s26 =	simm.s32 $execute0_lowered;
	[smem:$0x3FD2] =	sst s25  }
0xa6: {  	s4 =	sshll.u32 s26, $0x1;
	_ =	strace $0x80000046;
	[dreg:$0x1] =	wrdreg $0xFFFFFFFF  }
0xa7: {  	s28 =	simm.s32 $_size_execute0_lowered;
	s2 =	sadd.s32 s2, s4;
	[dreg:$0x0] =	wrdreg $0x0  }
0xa8: {  	s4 =	sshll.u32 s28, $0x1;
	[dreg:$0x2] =	wrdreg s2  }
0xa9: {  	[dreg:$0x3] =	wrdreg s4  }
0xaa: {  	[dreg:$0x4] =	wrdreg $0xC0  }
0xab: {  	_ =	task [dreg:s6], $0x5FFFF  }
0xac: {  	[dreg:$0x1] =	wrdreg $0xFFFFFFFF  }
0xad: {  	[dreg:$0x0] =	wrdreg $0x60  }
0xae: {  	[dreg:$0x2] =	wrdreg s24  }
0xaf: {  	[dreg:$0x3] =	wrdreg $0x9  }
0xb0: {  	_ =	task.clear_ibuf [dreg:s6], $0x4FFFF;
	_ =	strace $0x90000046  }
0xb1: {  	s29 =	simm.s32 $0x9;
	_ =	strace $0x80000048  }
0xb2: {  	_ =	swait.ge [sflag:s29], $0x1  }
0xb3: {  	[sflag:s29] =	ssyncadd.s32 $0xFFFFFFFF  }
0xb4: {  	_ =	strace $0x90000048  }
0xb5: {  	_ =	sfence  }
0xb6: {  	s30 =	sld [smem:$0x0];
	_ =	sdelay $0x2  }
0xb7: {  	s31 =	sshll.u32 s1, $0xD;
	s1 =	sshrl.u32 s1, $0x2  }
0xb8: {  	s3 =	sand.u32 $0x4000, s31;
	s1 =	sadd.s32 s1, s30  }
0xb9: {  	s0 =	sor.u32 s3, s0;
	s1 =	sshll.u32 s1, $0x11  }
0xba: {  	s0 =	sor.u32 s1, s0  }
0xbb: {  	s0 =	sadd.s32 $0x8F2B, s0  }
0xbc: {  	[sflag:s0] =	ssyncadd.remote.s32 $0x1  }
0xbd: {  	_ =	sfence.sel $0xFFFF  }
0xbe: {  	[dreg:$0x0] =	wrdreg $0xFFFFFFFF;
	(pc) =	sbr.abs _section_cstart, $3  }
0xbf: {  	[dreg:$0x1] =	wrdreg $0xFFFFFFFF  }
0xc0: {  	_ =	task.clear_ibuf [dreg:s6], $0x2FFFF;
	_ =	strace $0x9FFFFFFF  }
0xc1: {  	(tm) =	ssettm $0x7FFFFFFF  }
tec
execute0_lowered:
.L_overlay_start_1:
0x0: {  	(tag) =	ssettag $0x1  }
0x1: {  	v0 =	vimm.s32 $0xFEDCBA98;
	s3 =	rddreg [dreg:$0x0];
	v1 =	vimm.s32 $0x76543210  }
0x2: {  	s0 =	simm.s32 $0x0;
	s2 =	srdreg.scid;
	s1 =	stileid.u32;
	v3 =	vimm.s32 $0x32107654;
	v4 =	vimm.s32 $0xDCFE98BA;
	v5 =	vimm.s32 $0x54761032  }
0x3: {  	v6 =	vimm.s32 $0xEFCDAB89;
	v7 =	vimm.s32 $0x67452301;
	s9 =	simm.s32 $0x1;
	s10 =	simm.s32 $0x2280;
	s11 =	simm.s32 $0x2300;
	v0 =	vunpack.c.l.s4.s8 v0  }
0x4: {  	s12 =	simm.s32 $0x0;
	[smem:$0x7FF] =	sst s0;
	v1 =	vunpack.c.l.s4.s8 v1;
	s4 =	sand.u32 $0x1, s2;
	v3 =	vunpack.c.l.s4.s8 v3;
	v4 =	vunpack.c.l.s4.s8 v4  }
0x5: {  	s5 =	sshrl.u32 s1, $0x2;
	s30 =	sshll.u32 s1, $0x8;
	s2 =	rddreg [dreg:$0x1];
	v5 =	vunpack.c.l.s4.s8 v5;
	v2 =	vunpack.c.0.s8.s32 v0;
	v0 =	vimm.s32 $0xBA98FEDC  }
0x6: {  	v6 =	vunpack.c.l.s4.s8 v6;
	v7 =	vunpack.c.l.s4.s8 v7;
	s6 =	smul.u32 $0x11400, s5;
	s7 =	sshll.u32 s4, $0x7;
	s8 =	sand.u32 $0x300, s30;
	v0 =	vunpack.c.l.s4.s8 v0  }
0x7: {  	_ =	strace $0x80000047;
	s5 =	sshll.u32 s5, $0xA;
	s7 =	sor.u32 s7, s8;
	v3 =	vunpack.c.0.s8.s32 v3;
	v4 =	vunpack.c.0.s8.s32 v4;
	v5 =	vunpack.c.0.s8.s32 v5  }
0x8: {  	s4 =	ssub.s32 $0x2, s4;
	v6 =	vunpack.c.0.s8.s32 v6;
	v7 =	vunpack.c.0.s8.s32 v7;
	s6 =	sor.u32 s6, s7;
	s5 =	sor.u32 s5, s7;
	v0 =	vunpack.c.0.s8.s32 v0  }
0x9: {  	s31 =	sshrl.u32 s4, $0x1;
	v8 =	vunpack.c.0.s8.s32 v1;
	s6 =	sshrl.u32 s6, $0x3;
	s5 =	sshrl.u32 s5, $0x3;
	v1 =	vcombine.low v5, v4  }
0xa: {  	s8 =	simm.s32 $0x400;
	v9 =	vand.u32 $0xF, v2;
	v2 =	vcombine.low v7, v6;
	s6 =	sadd.s32 s6, s3;
	s5 =	sadd.s32 s5, s3;
	v0 =	vcombine.low v3, v0  }
0xb: {  	s7 =	ssub.s32 s4, s31;
	v4 =	vcombine.low v9, v8;
	s3 =	sadd.s32 $0x1400, s6;
	s4 =	sadd.s32 $0x9E00, s5;
	v6 =	vand.u32 $0xF, v1  }
0xc: {  	s5 =	sadd.s32 $0xA000, s5;
	s6 =	smax.u32 s7, $0x1;
	s7 =	simm.s32 $0x80;
	v7 =	vand.u32 $0xF, v2;
	v3 =	vimm.s32 $0x0;
	v5 =	vand.u32 $0xF, v0  }
.LBB2_1:
0xd: {  	[tilespmem:s0], [sflag:$0x1] =	stream.strided.gather [hbm4b:s3+s7], $0x2280, s8, s7, $0x38;
	[tilespmem:$0x2380] =	vst v63  }
0xe: {  	_ =	swait.ge [sflag:s9], $0x2280  }
0xf: {  	[sflag:s9] =	ssyncset.done $0x0  }
0x10: {  	[sflag:s9] =	ssyncadd.s32 $0xFFFFDD80  }
0x11: {  	[tilespmem:s10], [sflag:$0x1] =	stream.linear.gather [hbm4b:s4+s0], $0x80, $0x38;
	[tilespmem:$0x2380] =	vst v63  }
0x12: {  	_ =	swait.ge [sflag:s9], $0x80  }
0x13: {  	[sflag:s9] =	ssyncset.done $0x0  }
0x14: {  	[sflag:s9] =	ssyncadd.s32 $0xFFFFFF80  }
0x15: {  	v9 =	vimm.s32 $0x7FFFFFFF;
	v10 =	vimm.s32 $0x0;
	s13 =	simm.s32 $0x0;
	v8 =	vld [tilespmem:$0x2280]  }
.LBB2_2:
0x16: {  	s15 =	simm.s32 $0x0  }
0x17: {  	v12 =	vld [tilespmem:s15+$0x50]  }
0x18: {  	v11 =	vsub.s32 v9, v10;
	v13 =	vld [tilespmem:s15+$0x0]  }
0x19: {  	v14 =	vshrl.u32 v11, $0x1F;
	v15 =	vld [tilespmem:s15+$0x10]  }
0x1a: {  	v11 =	vadd.s32 v14, v11;
	v14 =	vld [tilespmem:s15+$0x20]  }
0x1b: {  	v11 =	vshra.s32 v11, $0x1  }
0x1c: {  	v16 =	vld [tilespmem:s15+$0x30];
	v11 =	vadd.s32 v10, v11  }
0x1d: {  	s14 =	simm.s32 $0x60;
	v22 =	vld [tilespmem:s15+$0x40];
	vm0 =	vgt.s32 v12, v11;
	vm1 =	vgt.s32 v13, v11  }
0x1e: {  	v17 =	vld [tilespmem:s14+$0x50];
	v13 =	vimm.s32 $0x0;
	v12 =	vsel vm0, $0x1, v3;
	v19 =	vsel vm1, $0x1, v3  }
0x1f: {  	v21 =	vld [tilespmem:s14+$0x0];
	vm0 =	vgt.s32 v15, v11;
	vm1 =	vgt.s32 v14, v11;
	v12 =	vadd.s32 v12, v13  }
0x20: {  	v18 =	vld [tilespmem:s14+$0x10];
	v14 =	vadd.s32 v19, v13;
	v15 =	vsel vm0, $0x1, v3;
	v20 =	vsel vm1, $0x1, v3  }
0x21: {  	v19 =	vld [tilespmem:s14+$0x20];
	vm0 =	vgt.s32 v16, v11;
	v15 =	vadd.s32 v15, v13;
	v16 =	vadd.s32 v20, v13  }
0x22: {  	s15 =	simm.s32 $0x300;
	v20 =	vld [tilespmem:s14+$0x30];
	v23 =	vsel vm0, $0x1, v3;
	vm0 =	vgt.s32 v22, v11;
	v22 =	vimm.s32 $0x0  }
.LBB2_3:
0x23: {  	p0 =	sne.s32 s15, $0x8700;
	v24 =	vld [tilespmem:s14+$0x40];
	s14 =	sshra.s32 s15, $0x2;
	s15 =	sadd.s32 $0x180, s15;
	vm1 =	vgt.s32 v17, v11;
	v13 =	vadd.s32 v23, v13;
	v23 =	vsel vm0, $0x1, v3  }
.Ltmp0:
0x24: {  	v17 =	vld [tilespmem:s14+$0x50];
	vm0 =	vgt.s32 v21, v11;
	v25 =	vsel vm1, $0x1, v3;
	v22 =	vadd.s32 v23, v22;
	(pc) =	sbr.rel @p0 .LBB2_3-.Ltmp0, $4  }
0x25: {  	v21 =	vld [tilespmem:s14+$0x0];
	v23 =	vsel vm0, $0x1, v3;
	vm0 =	vgt.s32 v18, v11;
	v12 =	vadd.s32 v25, v12  }
0x26: {  	v18 =	vld [tilespmem:s14+$0x10];
	v14 =	vadd.s32 v23, v14;
	v23 =	vsel vm0, $0x1, v3;
	vm0 =	vgt.s32 v19, v11  }
0x27: {  	v19 =	vld [tilespmem:s14+$0x20];
	v15 =	vadd.s32 v23, v15;
	v23 =	vsel vm0, $0x1, v3;
	vm0 =	vgt.s32 v20, v11  }
0x28: {  	v20 =	vld [tilespmem:s14+$0x30];
	v16 =	vadd.s32 v23, v16;
	v23 =	vsel vm0, $0x1, v3;
	vm0 =	vgt.s32 v24, v11  }
0x29: {  	_ = 	snop  }
0x2a: {  	v24 =	vld [tilespmem:s14+$0x40];
	v56 =	vsel vm0, $0x1, v3;
	vm10 =	vgt.s32 v17, v11  }
0x2b: {  	v13 =	vadd.s32 v23, v13;
	vm1 =	vgt.s32 v21, v11;
	v58 =	vadd.s32 v56, v22  }
0x2c: {  	v57 =	vsel vm1, $0x1, v3;
	vm11 =	vgt.s32 v18, v11;
	vm12 =	vgt.s32 v19, v11  }
0x2d: {  	v18 =	vsel vm11, $0x1, v3;
	v14 =	vadd.s32 v57, v14;
	v59 =	vsel vm12, $0x1, v3  }
0x2e: {  	v15 =	vadd.s32 v18, v15;
	vm13 =	vgt.s32 v20, v11;
	v16 =	vadd.s32 v59, v16  }
0x2f: {  	v60 =	vsel vm13, $0x1, v3;
	vm14 =	vgt.s32 v24, v11;
	v14 =	vadd.s32 v14, v15  }
0x30: {  	v13 =	vadd.s32 v60, v13;
	v61 =	vsel vm14, $0x1, v3;
	v14 =	vadd.s32 v16, v14  }
0x31: {  	v62 =	vsel vm10, $0x1, v3;
	v15 =	vadd.s32 v61, v58;
	v13 =	vadd.s32 v13, v14  }
0x32: {  	v12 =	vadd.s32 v62, v12;
	v13 =	vadd.s32 v15, v13  }
0x33: {  	v12 =	vadd.s32 v12, v13  }
0x34: {  	v13 =	vperm.xlane v12, v4;
	_ =	sdelay $0x1  }
0x35: {  	v12 =	vadd.s32 v12, v13  }
0x36: {  	v13 =	vperm.xlane v12, v0;
	_ =	sdelay $0x1  }
0x37: {  	v12 =	vadd.s32 v13, v12  }
0x38: {  	v13 =	vperm.xlane v12, v1  }
0x39: {  	s13 =	sadd.s32 $0x1, s13  }
0x3a: {  	p0 =	sne.s32 s13, $0x20;
	v12 =	vadd.s32 v13, v12  }
.Ltmp1:
0x3b: {  	v13 =	vperm.xlane v12, v2;
	(pc) =	sbr.rel @p0 .LBB2_2-.Ltmp1, $4  }
0x3c: {  	_ = 	snop  }
0x3d: {  	v12 =	vadd.s32 v13, v12  }
0x3e: {  	v63 =	vadd.s32 $0x1, v11;
	vm15 =	vlt.s32 v12, v8  }
0x3f: {  	v10 =	vsel vm15, v10, v63;
	v9 =	vsel vm15, v11, v9  }
0x40: {  	s14 =	simm.s32 $0x0  }
0x41: {  	v14 =	vld [tilespmem:s14+$0x20]  }
0x42: {  	v15 =	vld [tilespmem:s14+$0x0]  }
0x43: {  	v17 =	vld [tilespmem:s14+$0x10]  }
0x44: {  	v10 =	vimm.s32 $0x0;
	v11 =	vimm.f32 $0.0e+00;
	v12 =	vimm.s32 $0x0  }
0x45: {  	s13 =	simm.s32 $0xC0;
	v13 =	vimm.s32 $0x0;
	v18 =	vimm.f32 $0.0e+00;
	v16 =	vimm.f32 $0.0e+00  }
.LBB2_6:
0x46: {  	s14 =	sshra.s32 s13, $0x2;
	p0 =	sne.s32 s13, $0x87C0;
	s13 =	sadd.s32 $0xC0, s13;
	vm0 =	vgt.f32 v14, v9  }
.Ltmp2:
0x47: {  	vm1 =	vgt.f32 v15, v9;
	v19 =	vsel vm0, $0x1, v3;
	v20 =	vnsel vm0, $0x0, v14;
	v14 =	vld [tilespmem:s14+$0x20];
	v21 =	vmovc v15;
	(pc) =	sbr.rel @p0 .LBB2_6-.Ltmp2, $4  }
0x48: {  	v15 =	vld [tilespmem:s14+$0x0];
	vm0 =	vgt.f32 v17, v9;
	v22 =	vsel vm1, $0x1, v3;
	v11 =	vadd.f32 v20, v11  }
0x49: {  	v21 =	vnsel vm1, $0x0, v21;
	v20 =	vsel vm0, $0x1, v3;
	v23 =	vnsel vm0, $0x0, v17;
	v17 =	vld [tilespmem:s14+$0x10]  }
0x4a: {  	v13 =	vadd.s32 v19, v13;
	v10 =	vadd.s32 v22, v10;
	v12 =	vadd.s32 v20, v12  }
0x4b: {  	v18 =	vadd.f32 v21, v18;
	v16 =	vadd.f32 v23, v16  }
0x4c: {  	_ = 	snop  }
0x4d: {  	vm0 =	vgt.f32 v14, v9;
	vm1 =	vgt.f32 v15, v9  }
0x4e: {  	v19 =	vsel vm0, $0x1, v3;
	v14 =	vnsel vm0, $0x0, v14;
	vm14 =	vgt.f32 v17, v9  }
0x4f: {  	v20 =	vsel vm1, $0x1, v3;
	v15 =	vnsel vm1, $0x0, v15;
	v17 =	vnsel vm14, $0x0, v17  }
0x50: {  	v15 =	vadd.f32 v15, v18;
	v56 =	vsel vm14, $0x1, v3;
	v16 =	vadd.f32 v17, v16  }
0x51: {  	v11 =	vadd.f32 v14, v11;
	v10 =	vadd.s32 v20, v10;
	v12 =	vadd.s32 v56, v12  }
0x52: {  	v13 =	vadd.s32 v19, v13;
	v10 =	vadd.s32 v10, v12;
	v57 =	vadd.f32 v16, v15  }
0x53: {  	v10 =	vadd.s32 v13, v10  }
0x54: {  	v58 =	vperm.xlane v10, v4;
	v11 =	vadd.f32 v11, v57;
	_ =	sdelay $0x1  }
0x55: {  	v10 =	vadd.s32 v10, v58;
	v59 =	vperm.xlane v11, v4  }
0x56: {  	v60 =	vperm.xlane v10, v5  }
0x57: {  	v11 =	vadd.f32 v59, v11  }
0x58: {  	v10 =	vadd.s32 v60, v10  }
0x59: {  	v61 =	vperm.xlane v10, v6;
	v62 =	vperm.xlane v11, v5;
	_ =	sdelay $0x1  }
0x5a: {  	v10 =	vadd.s32 v61, v10;
	v11 =	vadd.f32 v62, v11  }
0x5b: {  	v12 =	vperm.xlane v10, v7  }
0x5c: {  	v13 =	vperm.xlane v11, v6  }
0x5d: {  	v10 =	vadd.s32 v12, v10  }
0x5e: {  	v12 =	vsub.s32 v8, v10;
	v11 =	vadd.f32 v13, v11  }
0x5f: {  	v12 =	vcvt.s32.f32 v12  }
0x60: {  	v13 =	vperm.xlane v11, v7  }
0x61: {  	v63 =	vmul.f32 v12, v9  }
0x62: {  	vm15 =	vgt.s32 v8, v10;
	v11 =	vadd.f32 v13, v11  }
0x63: {  	v8 =	vnsel vm15, $0x0, v63  }
0x64: {  	s12 =	sadd.s32 $0x1, s12;
	v8 =	vadd.f32 v8, v11  }
0x65: {  	p0 =	sne.s32 s12, s6  }
.Ltmp3:
0x66: {  	[tilespmem:$0x2300] =	vst v8;
	(pc) =	sbr.rel @p0 .LBB2_1-.Ltmp3, $4  }
0x67: {  	[hbm4b:s5+s0] =	stream.linear.scatter [tilespmem:s11], [sflag:$0x1], $0x80, $0x38;
	[tilespmem:$0x2380] =	vst v63  }
0x68: {  	_ =	swait.ge [sflag:s9], $0x80  }
0x69: {  	[sflag:s9] =	ssyncset.done $0x0  }
0x6a: {  	[sflag:s9] =	ssyncadd.s32 $0xFFFFFF80  }
0x6b: {  	_ =	sfence.sel $0x180000  }
0x6c: {  	[bflag:$0x0] =	sbarrier.arrive $0xFFFF  }
0x6d: {  	p0 =	sne.s32 s1, $0x0;
	_ =	strace $0x90000047  }
0x6e: {  	s0 =	sadd.s32 @!p0 $0x100000, s2;
	[bflag:$0x2] =	sbarrier.arrive $0xFFFF  }
0x6f: {  	[sflag:s0] =	ssyncadd.tile.s32 @!p0 $0x1;
	_ =	shalt  }
.Lfunc_end2:
_tile_overlayer_lowered:
.L_overlay_start_2:
0x70: {  	(tag) =	ssettag $0x2  }
0x71: {  	s0 =	rddreg [dreg:$0x0];
	s2 =	stileid.u32  }
0x72: {  	s1 =	rddreg [dreg:$0x1];
	p0 =	sne.s32 s2, $0x0  }
0x73: {  	s3 =	rddreg [dreg:$0x2];
	[bflag:$0x3] =	sbarrier.arrive $0xFFFF;
	s2 =	simm.s32 @!p0 $0x1C01  }
0x74: {  	[timem:s3], [sflag:s2] =	dma.local @!p0 [hbm:s0], s1  }
0x75: {  	s0 =	simm.s32 @!p0 $0x1  }
0x76: {  	_ =	swait.ge @!p0 [sflag:s0], s1  }
0x77: {  	s1 =	ssub.s32 @!p0 $0x0, s1;
	[sflag:s0] =	ssyncset.done @!p0 $0x0  }
0x78: {  	[sflag:s0] =	ssyncadd.s32 @!p0 s1  }
0x79: {  	[bflag:$0x3] =	sbarrier.arrive $0xFFFF  }
0x7a: {  	_ =	shalt  }

</sc_bundles>
